<compile_context>
chip_gen: v7x
topology: tpu7x:2x2x1
jax: 0.10.2.dev20260603
libtpu: 0.0.44.dev20260713+nightly
codegen_flags: <defaults>
</compile_context>

<pallas_src>
import functools

import jax
import jax.numpy as jnp
from jax import lax
from jax.experimental import pallas as pl
from jax.experimental.pallas import tpu as pltpu
from jax.experimental.pallas import tpu_sc as plsc

_EMBED = 64
_LANE = 128


@functools.lru_cache(maxsize=None)
def _make_gather(seq: int, batch: int):
    info = plsc.get_sparse_core_info()
    nc, ns = info.num_cores, info.num_subcores
    nw = nc * ns
    cols_per_w = batch // nw
    chunks = cols_per_w // _LANE
    steps = seq * chunks
    assert steps % 2 == 0
    mesh = plsc.VectorSubcoreMesh(core_axis_name="c", subcore_axis_name="s")

    @functools.partial(
        pl.kernel,
        mesh=mesh,
        out_type=jax.ShapeDtypeStruct((seq, batch, _EMBED), jnp.float32),
        scratch_types=[
            pltpu.VMEM((seq, cols_per_w), jnp.int32),
            pltpu.VMEM((2, _LANE, _EMBED), jnp.float32),
            pltpu.SemaphoreType.DMA,
            pltpu.SemaphoreType.DMA,
            pltpu.SemaphoreType.DMA,
            pltpu.SemaphoreType.DMA,
        ],
        compiler_params=pltpu.CompilerParams(use_tc_tiling_on_sc=False),
    )
    def gather_kernel(idx_hbm, table_hbm, out_hbm, idx_v, rows_v, sg0, sg1,
                      ss0, ss1):
        wid = lax.axis_index("s") * nc + lax.axis_index("c")
        i0 = wid * cols_per_w
        pltpu.sync_copy(idx_hbm.at[:, pl.ds(i0, cols_per_w)], idx_v)
        sg = (sg0, sg1)
        ss = (ss0, ss1)

        def fire_g(step, b):
            j = step // chunks
            c = step % chunks
            pltpu.async_copy(table_hbm.at[idx_v.at[j, pl.ds(c * _LANE, _LANE)]],
                             rows_v.at[b], sg[b])

        def drain_g(b):
            pltpu.make_async_copy(table_hbm.at[idx_v.at[0, pl.ds(0, _LANE)]],
                                  rows_v.at[b], sg[b]).wait()

        def fire_s(step, b):
            j = step // chunks
            c = step % chunks
            pltpu.async_copy(rows_v.at[b],
                             out_hbm.at[j, pl.ds(i0 + c * _LANE, _LANE)], ss[b])

        def wait_s(b):
            pltpu.make_async_copy(rows_v.at[b],
                                  out_hbm.at[0, pl.ds(i0, _LANE)], ss[b]).wait()

        fire_g(0, 0)
        fire_g(1, 1)

        def body(i, carry):
            g0 = i * 2
            for b in range(2):
                drain_g(b)
                fire_s(g0 + b, b)
            for b in range(2):
                wait_s(b)
                fire_g(g0 + 2 + b, b)
            return carry

        lax.fori_loop(0, (steps - 2) // 2, body, 0)
        for b in range(2):
            drain_g(b)
            fire_s(steps - 2 + b, b)
        for b in range(2):
            wait_s(b)

    return gather_kernel


def kernel(indexes, embeddings):
    b0, b1 = indexes.shape
    out = _make_gather(b1, b0)(indexes.T, embeddings)
    return out.transpose(1, 0, 2)

# --- scband reference (transcript-rebuilt; emitter-appended) ---
"""Pipeline reference for scband-pseudo-embedding-9380208575272 (READ-ONLY COPY).

The authoritative reference and input builder live on the scoring server;
editing this copy changes nothing except your own understanding.
"""

import jax, jax.numpy as jnp
import numpy as np

VOCAB = 1000000
EMBED_DIM = 64

def setup_inputs(seed: int = 0) -> dict:
    key = jax.random.key(seed)
    k1, k2 = jax.random.split(key)
    indexes = jax.random.randint(k1, (16384, 50), 0, VOCAB, dtype=jnp.int64 if jax.config.jax_enable_x64 else jnp.int32)
    embeddings = jax.random.normal(k2, (VOCAB, EMBED_DIM), dtype=jnp.float32)
    return {"indexes": indexes, "embeddings": embeddings}

def reference(indexes, embeddings):
    # PseudoEmbedding.forward: self.embeddings[indexes]
    return jnp.take(embeddings, indexes, axis=0)

if __name__ == "__main__":
    import jax
    _d = setup_inputs()
    print(jax.jit(kernel)(*tuple(_d.values())))

</pallas_src>

<mosaic_0001>
#map = affine_map<(d0, d1) -> (0, 0)>
#map1 = affine_map<(d0, d1) -> (0, 0, 0)>
module attributes {stable_mosaic.version = 14 : i64} {
  func.func @gather_kernel(%arg0: i32, %arg1: i32, %arg2: memref<50x16384xi32, #tpu.memory_space<hbm>>, %arg3: memref<1000000x64xf32, #tpu.memory_space<hbm>>, %arg4: memref<50x16384x64xf32, #tpu.memory_space<hbm>>, %arg5: memref<50x512xi32, #tpu.memory_space<vmem>>, %arg6: memref<2x128x64xf32, #tpu.memory_space<vmem>>, %arg7: memref<!tpu.dma_semaphore, #tpu.memory_space<semaphore_mem>>, %arg8: memref<!tpu.dma_semaphore, #tpu.memory_space<semaphore_mem>>, %arg9: memref<!tpu.dma_semaphore, #tpu.memory_space<semaphore_mem>>, %arg10: memref<!tpu.dma_semaphore, #tpu.memory_space<semaphore_mem>>) attributes {dimension_semantics = [#tpu.dimension_semantics<core_parallel>, #tpu.dimension_semantics<subcore_parallel>], iteration_bounds = array<i64: 2, 16>, scalar_prefetch = 0 : i64, scratch_operands = 6 : i64, tpu.core_type = #tpu.core_type<sc_vector_subcore>, window_params = [{transform_indices = #map}, {transform_indices = #map}, {transform_indices = #map1}]} {
    %mul3A = arith.constant 2 : i32
    %mul3A_0 = arith.muli %arg1, %mul3A : i32
    %add3A = arith.addi %mul3A_0, %arg0 : i32
    %mul3A_1 = arith.constant 512 : i32
    %mul3A_2 = arith.muli %add3A, %mul3A_1 : i32
    "tpu.region"() ({
      %run_scoped3A = tpu.sem_alloc : memref<!tpu.dma_semaphore, #tpu.memory_space<semaphore_mem>>
      %dma_start3A_122 = arith.constant 0 : i32
      %dma_start3A_123 = tpu.memref_slice %arg2[%dma_start3A_122, %mul3A_2] : memref<50x16384xi32, #tpu.memory_space<hbm>> -> memref<50x512xi32, #tpu.memory_space<hbm>>
      %dma_start3A_124 = arith.constant 0 : i32
      %dma_start3A_125 = tpu.memref_slice %arg2[%dma_start3A_124, %mul3A_2] : memref<50x16384xi32, #tpu.memory_space<hbm>> -> memref<50x512xi32, #tpu.memory_space<hbm>>
      tpu.enqueue_dma source(%dma_start3A_125 : memref<50x512xi32, #tpu.memory_space<hbm>>) target(%arg5 : memref<50x512xi32, #tpu.memory_space<vmem>>) target_semaphore(%run_scoped3A : memref<!tpu.dma_semaphore, #tpu.memory_space<semaphore_mem>>)
      %dma_wait3A_126 = arith.constant 0 : i32
      %dma_wait3A_127 = tpu.memref_slice %arg2[%dma_wait3A_126, %mul3A_2] : memref<50x16384xi32, #tpu.memory_space<hbm>> -> memref<50x512xi32, #tpu.memory_space<hbm>>
      %dma_wait3A_128 = arith.constant 0 : i32
      %dma_wait3A_129 = tpu.memref_slice %arg2[%dma_wait3A_128, %mul3A_2] : memref<50x16384xi32, #tpu.memory_space<hbm>> -> memref<50x512xi32, #tpu.memory_space<hbm>>
      tpu.wait_dma2 semaphore(%run_scoped3A : memref<!tpu.dma_semaphore, #tpu.memory_space<semaphore_mem>>) src(%dma_wait3A_129 : memref<50x512xi32, #tpu.memory_space<hbm>>) dst(%arg5 : memref<50x512xi32, #tpu.memory_space<vmem>>)
      tpu.yield
    }) : () -> ()
    %dma_start3A = arith.constant 0 : i32
    %dma_start3A_3 = arith.constant 0 : i32
    %dma_start3A_4 = arith.constant 0 : i32
    %dma_start3A_5 = arith.constant 0 : i32
    %dma_start3A_6 = tpu.memref_slice %arg6[%dma_start3A_3, %dma_start3A_4, %dma_start3A_5] : memref<2x128x64xf32, #tpu.memory_space<vmem>> -> memref<1x128x64xf32, #tpu.memory_space<vmem>>
    %dma_start3A_7 = tpu.memref_squeeze %dma_start3A_6 : memref<1x128x64xf32, #tpu.memory_space<vmem>> -> memref<128x64xf32, #tpu.memory_space<vmem>>
    %dma_start3A_8 = arith.constant 0 : i32
    %dma_start3A_9 = tpu.memref_slice %arg5[%dma_start3A, %dma_start3A_8] : memref<50x512xi32, #tpu.memory_space<vmem>> -> memref<1x128xi32, #tpu.memory_space<vmem>>
    %dma_start3A_10 = tpu.memref_squeeze %dma_start3A_9 : memref<1x128xi32, #tpu.memory_space<vmem>> -> memref<128xi32, #tpu.memory_space<vmem>>
    %dma_start3A_11 = arith.constant 0 : i32
    %dma_start3A_12 = arith.constant 0 : i32
    %dma_start3A_13 = tpu.memref_slice %arg3[%dma_start3A_11, %dma_start3A_12] : memref<1000000x64xf32, #tpu.memory_space<hbm>> -> memref<1000000x64xf32, #tpu.memory_space<hbm>>
    tpu.enqueue_indirect_dma source(%dma_start3A_13 : memref<1000000x64xf32, #tpu.memory_space<hbm>>) target(%dma_start3A_7 : memref<128x64xf32, #tpu.memory_space<vmem>>) offsets(%dma_start3A_10 : memref<128xi32, #tpu.memory_space<vmem>>) semaphore(%arg7 : memref<!tpu.dma_semaphore, #tpu.memory_space<semaphore_mem>>)
    %dma_start3A_14 = arith.constant 0 : i32
    %dma_start3A_15 = arith.constant 1 : i32
    %dma_start3A_16 = arith.constant 0 : i32
    %dma_start3A_17 = arith.constant 0 : i32
    %dma_start3A_18 = tpu.memref_slice %arg6[%dma_start3A_15, %dma_start3A_16, %dma_start3A_17] : memref<2x128x64xf32, #tpu.memory_space<vmem>> -> memref<1x128x64xf32, #tpu.memory_space<vmem>>
    %dma_start3A_19 = tpu.memref_squeeze %dma_start3A_18 : memref<1x128x64xf32, #tpu.memory_space<vmem>> -> memref<128x64xf32, #tpu.memory_space<vmem>>
    %dma_start3A_20 = arith.constant 128 : i32
    %dma_start3A_21 = tpu.memref_slice %arg5[%dma_start3A_14, %dma_start3A_20] : memref<50x512xi32, #tpu.memory_space<vmem>> -> memref<1x128xi32, #tpu.memory_space<vmem>>
    %dma_start3A_22 = tpu.memref_squeeze %dma_start3A_21 : memref<1x128xi32, #tpu.memory_space<vmem>> -> memref<128xi32, #tpu.memory_space<vmem>>
    %dma_start3A_23 = arith.constant 0 : i32
    %dma_start3A_24 = arith.constant 0 : i32
    %dma_start3A_25 = tpu.memref_slice %arg3[%dma_start3A_23, %dma_start3A_24] : memref<1000000x64xf32, #tpu.memory_space<hbm>> -> memref<1000000x64xf32, #tpu.memory_space<hbm>>
    tpu.enqueue_indirect_dma source(%dma_start3A_25 : memref<1000000x64xf32, #tpu.memory_space<hbm>>) target(%dma_start3A_19 : memref<128x64xf32, #tpu.memory_space<vmem>>) offsets(%dma_start3A_22 : memref<128xi32, #tpu.memory_space<vmem>>) semaphore(%arg8 : memref<!tpu.dma_semaphore, #tpu.memory_space<semaphore_mem>>)
    %scan3A = arith.constant 0 : i32
    %scan3A_26 = arith.constant 0 : i32
    %scan3A_27 = arith.constant 99 : i32
    %scan3A_28 = arith.addi %scan3A_26, %scan3A_27 : i32
    %scan3A_29 = arith.constant 1 : i32
    scf.for %scan3A_122 = %scan3A_26 to %scan3A_28 step %scan3A_29  : i32 {
      %mul3A_123 = arith.constant 2 : i32
      %mul3A_124 = arith.muli %scan3A_122, %mul3A_123 : i32
      %dma_wait3A_125 = arith.constant 0 : i32
      %dma_wait3A_126 = arith.constant 0 : i32
      %dma_wait3A_127 = arith.constant 0 : i32
      %dma_wait3A_128 = arith.constant 0 : i32
      %dma_wait3A_129 = tpu.memref_slice %arg6[%dma_wait3A_126, %dma_wait3A_127, %dma_wait3A_128] : memref<2x128x64xf32, #tpu.memory_space<vmem>> -> memref<1x128x64xf32, #tpu.memory_space<vmem>>
      %dma_wait3A_130 = tpu.memref_squeeze %dma_wait3A_129 : memref<1x128x64xf32, #tpu.memory_space<vmem>> -> memref<128x64xf32, #tpu.memory_space<vmem>>
      %dma_wait3A_131 = arith.constant 0 : i32
      %dma_wait3A_132 = tpu.memref_slice %arg5[%dma_wait3A_125, %dma_wait3A_131] : memref<50x512xi32, #tpu.memory_space<vmem>> -> memref<1x128xi32, #tpu.memory_space<vmem>>
      %dma_wait3A_133 = tpu.memref_squeeze %dma_wait3A_132 : memref<1x128xi32, #tpu.memory_space<vmem>> -> memref<128xi32, #tpu.memory_space<vmem>>
      %dma_wait3A_134 = arith.constant 0 : i32
      %dma_wait3A_135 = arith.constant 0 : i32
      %dma_wait3A_136 = tpu.memref_slice %arg3[%dma_wait3A_134, %dma_wait3A_135] : memref<1000000x64xf32, #tpu.memory_space<hbm>> -> memref<1000000x64xf32, #tpu.memory_space<hbm>>
      tpu.wait_indirect_dma semaphore(%arg7 : memref<!tpu.dma_semaphore, #tpu.memory_space<semaphore_mem>>) src(%dma_wait3A_136 : memref<1000000x64xf32, #tpu.memory_space<hbm>>) dst(%dma_wait3A_130 : memref<128x64xf32, #tpu.memory_space<vmem>>)
      %add3A_137 = arith.constant 0 : i32
      %add3A_138 = arith.addi %mul3A_124, %add3A_137 : i32
      %jit3A = arith.constant 4 : i32
      %div3A = arith.divsi %add3A_138, %jit3A : i32
      %sign3A = arith.constant 0 : i32
      %sign3A_139 = arith.cmpi sgt, %add3A_138, %sign3A : i32
      %sign3A_140 = arith.extui %sign3A_139 : i1 to i32
      %sign3A_141 = arith.constant 0 : i32
      %sign3A_142 = arith.cmpi slt, %add3A_138, %sign3A_141 : i32
      %sign3A_143 = arith.extui %sign3A_142 : i1 to i32
      %sign3A_144 = arith.subi %sign3A_140, %sign3A_143 : i32
      %sign3A_145 = arith.constant 0 : i32
      %sign3A_146 = arith.cmpi sgt, %jit3A, %sign3A_145 : i32
      %sign3A_147 = arith.extui %sign3A_146 : i1 to i32
      %sign3A_148 = arith.constant 0 : i32
      %sign3A_149 = arith.cmpi slt, %jit3A, %sign3A_148 : i32
      %sign3A_150 = arith.extui %sign3A_149 : i1 to i32
      %sign3A_151 = arith.subi %sign3A_147, %sign3A_150 : i32
      %ne3A = arith.cmpi ne, %sign3A_144, %sign3A_151 : i32
      %rem3A = arith.remsi %add3A_138, %jit3A : i32
      %ne3A_152 = arith.constant 0 : i32
      %ne3A_153 = arith.cmpi ne, %rem3A, %ne3A_152 : i32
      %and3A = arith.andi %ne3A, %ne3A_153 : i1
      %sub3A = arith.constant 1 : i32
      %sub3A_154 = arith.subi %div3A, %sub3A : i32
      %select_n3A = arith.select %and3A, %sub3A_154, %div3A : i32
      %jit3A_155 = arith.constant 4 : i32
      %eq3A = arith.constant 0 : i32
      %eq3A_156 = arith.cmpi eq, %jit3A_155, %eq3A : i32
      %jit3A_157 = arith.constant 1 : i32
      %select_n3A_158 = arith.select %eq3A_156, %jit3A_157, %jit3A_155 : i32
      %rem3A_159 = arith.remsi %add3A_138, %select_n3A_158 : i32
      %ne3A_160 = arith.constant 0 : i32
      %ne3A_161 = arith.cmpi ne, %rem3A_159, %ne3A_160 : i32
      %lt3A = arith.constant 0 : i32
      %lt3A_162 = arith.cmpi slt, %rem3A_159, %lt3A : i32
      %lt3A_163 = arith.constant 0 : i32
      %lt3A_164 = arith.cmpi slt, %select_n3A_158, %lt3A_163 : i32
      %ne3A_165 = arith.xori %lt3A_162, %lt3A_164 : i1
      %and3A_166 = arith.andi %ne3A_165, %ne3A_161 : i1
      %add3A_167 = arith.addi %rem3A_159, %select_n3A_158 : i32
      %select_n3A_168 = arith.select %and3A_166, %add3A_167, %rem3A_159 : i32
      %mul3A_169 = arith.constant 128 : i32
      %mul3A_170 = arith.muli %select_n3A_168, %mul3A_169 : i32
      %add3A_171 = arith.addi %mul3A_2, %mul3A_170 : i32
      %dma_start3A_172 = arith.constant 0 : i32
      %dma_start3A_173 = arith.constant 0 : i32
      %dma_start3A_174 = arith.constant 0 : i32
      %dma_start3A_175 = tpu.memref_slice %arg6[%dma_start3A_172, %dma_start3A_173, %dma_start3A_174] : memref<2x128x64xf32, #tpu.memory_space<vmem>> -> memref<1x128x64xf32, #tpu.memory_space<vmem>>
      %dma_start3A_176 = tpu.memref_squeeze %dma_start3A_175 : memref<1x128x64xf32, #tpu.memory_space<vmem>> -> memref<128x64xf32, #tpu.memory_space<vmem>>
      %dma_start3A_177 = arith.constant 0 : i32
      %dma_start3A_178 = tpu.memref_slice %arg4[%select_n3A, %add3A_171, %dma_start3A_177] : memref<50x16384x64xf32, #tpu.memory_space<hbm>> -> memref<1x128x64xf32, #tpu.memory_space<hbm>>
      %dma_start3A_179 = tpu.memref_squeeze %dma_start3A_178 : memref<1x128x64xf32, #tpu.memory_space<hbm>> -> memref<128x64xf32, #tpu.memory_space<hbm>>
      %dma_start3A_180 = arith.constant 0 : i32
      %dma_start3A_181 = tpu.memref_slice %arg4[%select_n3A, %add3A_171, %dma_start3A_180] : memref<50x16384x64xf32, #tpu.memory_space<hbm>> -> memref<1x128x64xf32, #tpu.memory_space<hbm>>
      %dma_start3A_182 = tpu.memref_squeeze %dma_start3A_181 : memref<1x128x64xf32, #tpu.memory_space<hbm>> -> memref<128x64xf32, #tpu.memory_space<hbm>>
      %dma_start3A_183 = arith.constant 0 : i32
      %dma_start3A_184 = arith.constant 0 : i32
      %dma_start3A_185 = tpu.memref_slice %arg6[%dma_start3A_172, %dma_start3A_183, %dma_start3A_184] : memref<2x128x64xf32, #tpu.memory_space<vmem>> -> memref<1x128x64xf32, #tpu.memory_space<vmem>>
      %dma_start3A_186 = tpu.memref_squeeze %dma_start3A_185 : memref<1x128x64xf32, #tpu.memory_space<vmem>> -> memref<128x64xf32, #tpu.memory_space<vmem>>
      tpu.enqueue_dma source(%dma_start3A_186 : memref<128x64xf32, #tpu.memory_space<vmem>>) target(%dma_start3A_182 : memref<128x64xf32, #tpu.memory_space<hbm>>) target_semaphore(%arg9 : memref<!tpu.dma_semaphore, #tpu.memory_space<semaphore_mem>>)
      %dma_wait3A_187 = arith.constant 0 : i32
      %dma_wait3A_188 = arith.constant 1 : i32
      %dma_wait3A_189 = arith.constant 0 : i32
      %dma_wait3A_190 = arith.constant 0 : i32
      %dma_wait3A_191 = tpu.memref_slice %arg6[%dma_wait3A_188, %dma_wait3A_189, %dma_wait3A_190] : memref<2x128x64xf32, #tpu.memory_space<vmem>> -> memref<1x128x64xf32, #tpu.memory_space<vmem>>
      %dma_wait3A_192 = tpu.memref_squeeze %dma_wait3A_191 : memref<1x128x64xf32, #tpu.memory_space<vmem>> -> memref<128x64xf32, #tpu.memory_space<vmem>>
      %dma_wait3A_193 = arith.constant 0 : i32
      %dma_wait3A_194 = tpu.memref_slice %arg5[%dma_wait3A_187, %dma_wait3A_193] : memref<50x512xi32, #tpu.memory_space<vmem>> -> memref<1x128xi32, #tpu.memory_space<vmem>>
      %dma_wait3A_195 = tpu.memref_squeeze %dma_wait3A_194 : memref<1x128xi32, #tpu.memory_space<vmem>> -> memref<128xi32, #tpu.memory_space<vmem>>
      %dma_wait3A_196 = arith.constant 0 : i32
      %dma_wait3A_197 = arith.constant 0 : i32
      %dma_wait3A_198 = tpu.memref_slice %arg3[%dma_wait3A_196, %dma_wait3A_197] : memref<1000000x64xf32, #tpu.memory_space<hbm>> -> memref<1000000x64xf32, #tpu.memory_space<hbm>>
      tpu.wait_indirect_dma semaphore(%arg8 : memref<!tpu.dma_semaphore, #tpu.memory_space<semaphore_mem>>) src(%dma_wait3A_198 : memref<1000000x64xf32, #tpu.memory_space<hbm>>) dst(%dma_wait3A_192 : memref<128x64xf32, #tpu.memory_space<vmem>>)
      %add3A_199 = arith.constant 1 : i32
      %add3A_200 = arith.addi %mul3A_124, %add3A_199 : i32
      %jit3A_201 = arith.constant 4 : i32
      %div3A_202 = arith.divsi %add3A_200, %jit3A_201 : i32
      %sign3A_203 = arith.constant 0 : i32
      %sign3A_204 = arith.cmpi sgt, %add3A_200, %sign3A_203 : i32
      %sign3A_205 = arith.extui %sign3A_204 : i1 to i32
      %sign3A_206 = arith.constant 0 : i32
      %sign3A_207 = arith.cmpi slt, %add3A_200, %sign3A_206 : i32
      %sign3A_208 = arith.extui %sign3A_207 : i1 to i32
      %sign3A_209 = arith.subi %sign3A_205, %sign3A_208 : i32
      %sign3A_210 = arith.constant 0 : i32
      %sign3A_211 = arith.cmpi sgt, %jit3A_201, %sign3A_210 : i32
      %sign3A_212 = arith.extui %sign3A_211 : i1 to i32
      %sign3A_213 = arith.constant 0 : i32
      %sign3A_214 = arith.cmpi slt, %jit3A_201, %sign3A_213 : i32
      %sign3A_215 = arith.extui %sign3A_214 : i1 to i32
      %sign3A_216 = arith.subi %sign3A_212, %sign3A_215 : i32
      %ne3A_217 = arith.cmpi ne, %sign3A_209, %sign3A_216 : i32
      %rem3A_218 = arith.remsi %add3A_200, %jit3A_201 : i32
      %ne3A_219 = arith.constant 0 : i32
      %ne3A_220 = arith.cmpi ne, %rem3A_218, %ne3A_219 : i32
      %and3A_221 = arith.andi %ne3A_217, %ne3A_220 : i1
      %sub3A_222 = arith.constant 1 : i32
      %sub3A_223 = arith.subi %div3A_202, %sub3A_222 : i32
      %select_n3A_224 = arith.select %and3A_221, %sub3A_223, %div3A_202 : i32
      %jit3A_225 = arith.constant 4 : i32
      %eq3A_226 = arith.constant 0 : i32
      %eq3A_227 = arith.cmpi eq, %jit3A_225, %eq3A_226 : i32
      %jit3A_228 = arith.constant 1 : i32
      %select_n3A_229 = arith.select %eq3A_227, %jit3A_228, %jit3A_225 : i32
      %rem3A_230 = arith.remsi %add3A_200, %select_n3A_229 : i32
      %ne3A_231 = arith.constant 0 : i32
      %ne3A_232 = arith.cmpi ne, %rem3A_230, %ne3A_231 : i32
      %lt3A_233 = arith.constant 0 : i32
      %lt3A_234 = arith.cmpi slt, %rem3A_230, %lt3A_233 : i32
      %lt3A_235 = arith.constant 0 : i32
      %lt3A_236 = arith.cmpi slt, %select_n3A_229, %lt3A_235 : i32
      %ne3A_237 = arith.xori %lt3A_234, %lt3A_236 : i1
      %and3A_238 = arith.andi %ne3A_237, %ne3A_232 : i1
      %add3A_239 = arith.addi %rem3A_230, %select_n3A_229 : i32
      %select_n3A_240 = arith.select %and3A_238, %add3A_239, %rem3A_230 : i32
      %mul3A_241 = arith.constant 128 : i32
      %mul3A_242 = arith.muli %select_n3A_240, %mul3A_241 : i32
      %add3A_243 = arith.addi %mul3A_2, %mul3A_242 : i32
      %dma_start3A_244 = arith.constant 1 : i32
      %dma_start3A_245 = arith.constant 0 : i32
      %dma_start3A_246 = arith.constant 0 : i32
      %dma_start3A_247 = tpu.memref_slice %arg6[%dma_start3A_244, %dma_start3A_245, %dma_start3A_246] : memref<2x128x64xf32, #tpu.memory_space<vmem>> -> memref<1x128x64xf32, #tpu.memory_space<vmem>>
      %dma_start3A_248 = tpu.memref_squeeze %dma_start3A_247 : memref<1x128x64xf32, #tpu.memory_space<vmem>> -> memref<128x64xf32, #tpu.memory_space<vmem>>
      %dma_start3A_249 = arith.constant 0 : i32
      %dma_start3A_250 = tpu.memref_slice %arg4[%select_n3A_224, %add3A_243, %dma_start3A_249] : memref<50x16384x64xf32, #tpu.memory_space<hbm>> -> memref<1x128x64xf32, #tpu.memory_space<hbm>>
      %dma_start3A_251 = tpu.memref_squeeze %dma_start3A_250 : memref<1x128x64xf32, #tpu.memory_space<hbm>> -> memref<128x64xf32, #tpu.memory_space<hbm>>
      %dma_start3A_252 = arith.constant 0 : i32
      %dma_start3A_253 = tpu.memref_slice %arg4[%select_n3A_224, %add3A_243, %dma_start3A_252] : memref<50x16384x64xf32, #tpu.memory_space<hbm>> -> memref<1x128x64xf32, #tpu.memory_space<hbm>>
      %dma_start3A_254 = tpu.memref_squeeze %dma_start3A_253 : memref<1x128x64xf32, #tpu.memory_space<hbm>> -> memref<128x64xf32, #tpu.memory_space<hbm>>
      %dma_start3A_255 = arith.constant 0 : i32
      %dma_start3A_256 = arith.constant 0 : i32
      %dma_start3A_257 = tpu.memref_slice %arg6[%dma_start3A_244, %dma_start3A_255, %dma_start3A_256] : memref<2x128x64xf32, #tpu.memory_space<vmem>> -> memref<1x128x64xf32, #tpu.memory_space<vmem>>
      %dma_start3A_258 = tpu.memref_squeeze %dma_start3A_257 : memref<1x128x64xf32, #tpu.memory_space<vmem>> -> memref<128x64xf32, #tpu.memory_space<vmem>>
      tpu.enqueue_dma source(%dma_start3A_258 : memref<128x64xf32, #tpu.memory_space<vmem>>) target(%dma_start3A_254 : memref<128x64xf32, #tpu.memory_space<hbm>>) target_semaphore(%arg10 : memref<!tpu.dma_semaphore, #tpu.memory_space<semaphore_mem>>)
      %dma_wait3A_259 = arith.constant 0 : i32
      %dma_wait3A_260 = arith.constant 0 : i32
      %dma_wait3A_261 = arith.constant 0 : i32
      %dma_wait3A_262 = arith.constant 0 : i32
      %dma_wait3A_263 = tpu.memref_slice %arg6[%dma_wait3A_259, %dma_wait3A_261, %dma_wait3A_262] : memref<2x128x64xf32, #tpu.memory_space<vmem>> -> memref<1x128x64xf32, #tpu.memory_space<vmem>>
      %dma_wait3A_264 = tpu.memref_squeeze %dma_wait3A_263 : memref<1x128x64xf32, #tpu.memory_space<vmem>> -> memref<128x64xf32, #tpu.memory_space<vmem>>
      %dma_wait3A_265 = arith.constant 0 : i32
      %dma_wait3A_266 = tpu.memref_slice %arg4[%dma_wait3A_260, %mul3A_2, %dma_wait3A_265] : memref<50x16384x64xf32, #tpu.memory_space<hbm>> -> memref<1x128x64xf32, #tpu.memory_space<hbm>>
      %dma_wait3A_267 = tpu.memref_squeeze %dma_wait3A_266 : memref<1x128x64xf32, #tpu.memory_space<hbm>> -> memref<128x64xf32, #tpu.memory_space<hbm>>
      %dma_wait3A_268 = arith.constant 0 : i32
      %dma_wait3A_269 = tpu.memref_slice %arg4[%dma_wait3A_260, %mul3A_2, %dma_wait3A_268] : memref<50x16384x64xf32, #tpu.memory_space<hbm>> -> memref<1x128x64xf32, #tpu.memory_space<hbm>>
      %dma_wait3A_270 = tpu.memref_squeeze %dma_wait3A_269 : memref<1x128x64xf32, #tpu.memory_space<hbm>> -> memref<128x64xf32, #tpu.memory_space<hbm>>
      %dma_wait3A_271 = arith.constant 0 : i32
      %dma_wait3A_272 = arith.constant 0 : i32
      %dma_wait3A_273 = tpu.memref_slice %arg6[%dma_wait3A_259, %dma_wait3A_271, %dma_wait3A_272] : memref<2x128x64xf32, #tpu.memory_space<vmem>> -> memref<1x128x64xf32, #tpu.memory_space<vmem>>
      %dma_wait3A_274 = tpu.memref_squeeze %dma_wait3A_273 : memref<1x128x64xf32, #tpu.memory_space<vmem>> -> memref<128x64xf32, #tpu.memory_space<vmem>>
      tpu.wait_dma2 semaphore(%arg9 : memref<!tpu.dma_semaphore, #tpu.memory_space<semaphore_mem>>) src(%dma_wait3A_274 : memref<128x64xf32, #tpu.memory_space<vmem>>) dst(%dma_wait3A_270 : memref<128x64xf32, #tpu.memory_space<hbm>>)
      %add3A_275 = arith.constant 2 : i32
      %add3A_276 = arith.addi %mul3A_124, %add3A_275 : i32
      %add3A_277 = arith.constant 0 : i32
      %add3A_278 = arith.addi %add3A_276, %add3A_277 : i32
      %jit3A_279 = arith.constant 4 : i32
      %div3A_280 = arith.divsi %add3A_278, %jit3A_279 : i32
      %sign3A_281 = arith.constant 0 : i32
      %sign3A_282 = arith.cmpi sgt, %add3A_278, %sign3A_281 : i32
      %sign3A_283 = arith.extui %sign3A_282 : i1 to i32
      %sign3A_284 = arith.constant 0 : i32
      %sign3A_285 = arith.cmpi slt, %add3A_278, %sign3A_284 : i32
      %sign3A_286 = arith.extui %sign3A_285 : i1 to i32
      %sign3A_287 = arith.subi %sign3A_283, %sign3A_286 : i32
      %sign3A_288 = arith.constant 0 : i32
      %sign3A_289 = arith.cmpi sgt, %jit3A_279, %sign3A_288 : i32
      %sign3A_290 = arith.extui %sign3A_289 : i1 to i32
      %sign3A_291 = arith.constant 0 : i32
      %sign3A_292 = arith.cmpi slt, %jit3A_279, %sign3A_291 : i32
      %sign3A_293 = arith.extui %sign3A_292 : i1 to i32
      %sign3A_294 = arith.subi %sign3A_290, %sign3A_293 : i32
      %ne3A_295 = arith.cmpi ne, %sign3A_287, %sign3A_294 : i32
      %rem3A_296 = arith.remsi %add3A_278, %jit3A_279 : i32
      %ne3A_297 = arith.constant 0 : i32
      %ne3A_298 = arith.cmpi ne, %rem3A_296, %ne3A_297 : i32
      %and3A_299 = arith.andi %ne3A_295, %ne3A_298 : i1
      %sub3A_300 = arith.constant 1 : i32
      %sub3A_301 = arith.subi %div3A_280, %sub3A_300 : i32
      %select_n3A_302 = arith.select %and3A_299, %sub3A_301, %div3A_280 : i32
      %jit3A_303 = arith.constant 4 : i32
      %eq3A_304 = arith.constant 0 : i32
      %eq3A_305 = arith.cmpi eq, %jit3A_303, %eq3A_304 : i32
      %jit3A_306 = arith.constant 1 : i32
      %select_n3A_307 = arith.select %eq3A_305, %jit3A_306, %jit3A_303 : i32
      %rem3A_308 = arith.remsi %add3A_278, %select_n3A_307 : i32
      %ne3A_309 = arith.constant 0 : i32
      %ne3A_310 = arith.cmpi ne, %rem3A_308, %ne3A_309 : i32
      %lt3A_311 = arith.constant 0 : i32
      %lt3A_312 = arith.cmpi slt, %rem3A_308, %lt3A_311 : i32
      %lt3A_313 = arith.constant 0 : i32
      %lt3A_314 = arith.cmpi slt, %select_n3A_307, %lt3A_313 : i32
      %ne3A_315 = arith.xori %lt3A_312, %lt3A_314 : i1
      %and3A_316 = arith.andi %ne3A_315, %ne3A_310 : i1
      %add3A_317 = arith.addi %rem3A_308, %select_n3A_307 : i32
      %select_n3A_318 = arith.select %and3A_316, %add3A_317, %rem3A_308 : i32
      %mul3A_319 = arith.constant 128 : i32
      %mul3A_320 = arith.muli %select_n3A_318, %mul3A_319 : i32
      %dma_start3A_321 = arith.constant 0 : i32
      %dma_start3A_322 = arith.constant 0 : i32
      %dma_start3A_323 = arith.constant 0 : i32
      %dma_start3A_324 = tpu.memref_slice %arg6[%dma_start3A_321, %dma_start3A_322, %dma_start3A_323] : memref<2x128x64xf32, #tpu.memory_space<vmem>> -> memref<1x128x64xf32, #tpu.memory_space<vmem>>
      %dma_start3A_325 = tpu.memref_squeeze %dma_start3A_324 : memref<1x128x64xf32, #tpu.memory_space<vmem>> -> memref<128x64xf32, #tpu.memory_space<vmem>>
      %dma_start3A_326 = tpu.memref_slice %arg5[%select_n3A_302, %mul3A_320] : memref<50x512xi32, #tpu.memory_space<vmem>> -> memref<1x128xi32, #tpu.memory_space<vmem>>
      %dma_start3A_327 = tpu.memref_squeeze %dma_start3A_326 : memref<1x128xi32, #tpu.memory_space<vmem>> -> memref<128xi32, #tpu.memory_space<vmem>>
      %dma_start3A_328 = arith.constant 0 : i32
      %dma_start3A_329 = arith.constant 0 : i32
      %dma_start3A_330 = tpu.memref_slice %arg3[%dma_start3A_328, %dma_start3A_329] : memref<1000000x64xf32, #tpu.memory_space<hbm>> -> memref<1000000x64xf32, #tpu.memory_space<hbm>>
      tpu.enqueue_indirect_dma source(%dma_start3A_330 : memref<1000000x64xf32, #tpu.memory_space<hbm>>) target(%dma_start3A_325 : memref<128x64xf32, #tpu.memory_space<vmem>>) offsets(%dma_start3A_327 : memref<128xi32, #tpu.memory_space<vmem>>) semaphore(%arg7 : memref<!tpu.dma_semaphore, #tpu.memory_space<semaphore_mem>>)
      %dma_wait3A_331 = arith.constant 1 : i32
      %dma_wait3A_332 = arith.constant 0 : i32
      %dma_wait3A_333 = arith.constant 0 : i32
      %dma_wait3A_334 = arith.constant 0 : i32
      %dma_wait3A_335 = tpu.memref_slice %arg6[%dma_wait3A_331, %dma_wait3A_333, %dma_wait3A_334] : memref<2x128x64xf32, #tpu.memory_space<vmem>> -> memref<1x128x64xf32, #tpu.memory_space<vmem>>
      %dma_wait3A_336 = tpu.memref_squeeze %dma_wait3A_335 : memref<1x128x64xf32, #tpu.memory_space<vmem>> -> memref<128x64xf32, #tpu.memory_space<vmem>>
      %dma_wait3A_337 = arith.constant 0 : i32
      %dma_wait3A_338 = tpu.memref_slice %arg4[%dma_wait3A_332, %mul3A_2, %dma_wait3A_337] : memref<50x16384x64xf32, #tpu.memory_space<hbm>> -> memref<1x128x64xf32, #tpu.memory_space<hbm>>
      %dma_wait3A_339 = tpu.memref_squeeze %dma_wait3A_338 : memref<1x128x64xf32, #tpu.memory_space<hbm>> -> memref<128x64xf32, #tpu.memory_space<hbm>>
      %dma_wait3A_340 = arith.constant 0 : i32
      %dma_wait3A_341 = tpu.memref_slice %arg4[%dma_wait3A_332, %mul3A_2, %dma_wait3A_340] : memref<50x16384x64xf32, #tpu.memory_space<hbm>> -> memref<1x128x64xf32, #tpu.memory_space<hbm>>
      %dma_wait3A_342 = tpu.memref_squeeze %dma_wait3A_341 : memref<1x128x64xf32, #tpu.memory_space<hbm>> -> memref<128x64xf32, #tpu.memory_space<hbm>>
      %dma_wait3A_343 = arith.constant 0 : i32
      %dma_wait3A_344 = arith.constant 0 : i32
      %dma_wait3A_345 = tpu.memref_slice %arg6[%dma_wait3A_331, %dma_wait3A_343, %dma_wait3A_344] : memref<2x128x64xf32, #tpu.memory_space<vmem>> -> memref<1x128x64xf32, #tpu.memory_space<vmem>>
      %dma_wait3A_346 = tpu.memref_squeeze %dma_wait3A_345 : memref<1x128x64xf32, #tpu.memory_space<vmem>> -> memref<128x64xf32, #tpu.memory_space<vmem>>
      tpu.wait_dma2 semaphore(%arg10 : memref<!tpu.dma_semaphore, #tpu.memory_space<semaphore_mem>>) src(%dma_wait3A_346 : memref<128x64xf32, #tpu.memory_space<vmem>>) dst(%dma_wait3A_342 : memref<128x64xf32, #tpu.memory_space<hbm>>)
      %add3A_347 = arith.constant 2 : i32
      %add3A_348 = arith.addi %mul3A_124, %add3A_347 : i32
      %add3A_349 = arith.constant 1 : i32
      %add3A_350 = arith.addi %add3A_348, %add3A_349 : i32
      %jit3A_351 = arith.constant 4 : i32
      %div3A_352 = arith.divsi %add3A_350, %jit3A_351 : i32
      %sign3A_353 = arith.constant 0 : i32
      %sign3A_354 = arith.cmpi sgt, %add3A_350, %sign3A_353 : i32
      %sign3A_355 = arith.extui %sign3A_354 : i1 to i32
      %sign3A_356 = arith.constant 0 : i32
      %sign3A_357 = arith.cmpi slt, %add3A_350, %sign3A_356 : i32
      %sign3A_358 = arith.extui %sign3A_357 : i1 to i32
      %sign3A_359 = arith.subi %sign3A_355, %sign3A_358 : i32
      %sign3A_360 = arith.constant 0 : i32
      %sign3A_361 = arith.cmpi sgt, %jit3A_351, %sign3A_360 : i32
      %sign3A_362 = arith.extui %sign3A_361 : i1 to i32
      %sign3A_363 = arith.constant 0 : i32
      %sign3A_364 = arith.cmpi slt, %jit3A_351, %sign3A_363 : i32
      %sign3A_365 = arith.extui %sign3A_364 : i1 to i32
      %sign3A_366 = arith.subi %sign3A_362, %sign3A_365 : i32
      %ne3A_367 = arith.cmpi ne, %sign3A_359, %sign3A_366 : i32
      %rem3A_368 = arith.remsi %add3A_350, %jit3A_351 : i32
      %ne3A_369 = arith.constant 0 : i32
      %ne3A_370 = arith.cmpi ne, %rem3A_368, %ne3A_369 : i32
      %and3A_371 = arith.andi %ne3A_367, %ne3A_370 : i1
      %sub3A_372 = arith.constant 1 : i32
      %sub3A_373 = arith.subi %div3A_352, %sub3A_372 : i32
      %select_n3A_374 = arith.select %and3A_371, %sub3A_373, %div3A_352 : i32
      %jit3A_375 = arith.constant 4 : i32
      %eq3A_376 = arith.constant 0 : i32
      %eq3A_377 = arith.cmpi eq, %jit3A_375, %eq3A_376 : i32
      %jit3A_378 = arith.constant 1 : i32
      %select_n3A_379 = arith.select %eq3A_377, %jit3A_378, %jit3A_375 : i32
      %rem3A_380 = arith.remsi %add3A_350, %select_n3A_379 : i32
      %ne3A_381 = arith.constant 0 : i32
      %ne3A_382 = arith.cmpi ne, %rem3A_380, %ne3A_381 : i32
      %lt3A_383 = arith.constant 0 : i32
      %lt3A_384 = arith.cmpi slt, %rem3A_380, %lt3A_383 : i32
      %lt3A_385 = arith.constant 0 : i32
      %lt3A_386 = arith.cmpi slt, %select_n3A_379, %lt3A_385 : i32
      %ne3A_387 = arith.xori %lt3A_384, %lt3A_386 : i1
      %and3A_388 = arith.andi %ne3A_387, %ne3A_382 : i1
      %add3A_389 = arith.addi %rem3A_380, %select_n3A_379 : i32
      %select_n3A_390 = arith.select %and3A_388, %add3A_389, %rem3A_380 : i32
      %mul3A_391 = arith.constant 128 : i32
      %mul3A_392 = arith.muli %select_n3A_390, %mul3A_391 : i32
      %dma_start3A_393 = arith.constant 1 : i32
      %dma_start3A_394 = arith.constant 0 : i32
      %dma_start3A_395 = arith.constant 0 : i32
      %dma_start3A_396 = tpu.memref_slice %arg6[%dma_start3A_393, %dma_start3A_394, %dma_start3A_395] : memref<2x128x64xf32, #tpu.memory_space<vmem>> -> memref<1x128x64xf32, #tpu.memory_space<vmem>>
      %dma_start3A_397 = tpu.memref_squeeze %dma_start3A_396 : memref<1x128x64xf32, #tpu.memory_space<vmem>> -> memref<128x64xf32, #tpu.memory_space<vmem>>
      %dma_start3A_398 = tpu.memref_slice %arg5[%select_n3A_374, %mul3A_392] : memref<50x512xi32, #tpu.memory_space<vmem>> -> memref<1x128xi32, #tpu.memory_space<vmem>>
      %dma_start3A_399 = tpu.memref_squeeze %dma_start3A_398 : memref<1x128xi32, #tpu.memory_space<vmem>> -> memref<128xi32, #tpu.memory_space<vmem>>
      %dma_start3A_400 = arith.constant 0 : i32
      %dma_start3A_401 = arith.constant 0 : i32
      %dma_start3A_402 = tpu.memref_slice %arg3[%dma_start3A_400, %dma_start3A_401] : memref<1000000x64xf32, #tpu.memory_space<hbm>> -> memref<1000000x64xf32, #tpu.memory_space<hbm>>
      tpu.enqueue_indirect_dma source(%dma_start3A_402 : memref<1000000x64xf32, #tpu.memory_space<hbm>>) target(%dma_start3A_397 : memref<128x64xf32, #tpu.memory_space<vmem>>) offsets(%dma_start3A_399 : memref<128xi32, #tpu.memory_space<vmem>>) semaphore(%arg8 : memref<!tpu.dma_semaphore, #tpu.memory_space<semaphore_mem>>)
    }
    %scan3A_30 = arith.constant 99 : i32
    %dma_wait3A = arith.constant 0 : i32
    %dma_wait3A_31 = arith.constant 0 : i32
    %dma_wait3A_32 = arith.constant 0 : i32
    %dma_wait3A_33 = arith.constant 0 : i32
    %dma_wait3A_34 = tpu.memref_slice %arg6[%dma_wait3A_31, %dma_wait3A_32, %dma_wait3A_33] : memref<2x128x64xf32, #tpu.memory_space<vmem>> -> memref<1x128x64xf32, #tpu.memory_space<vmem>>
    %dma_wait3A_35 = tpu.memref_squeeze %dma_wait3A_34 : memref<1x128x64xf32, #tpu.memory_space<vmem>> -> memref<128x64xf32, #tpu.memory_space<vmem>>
    %dma_wait3A_36 = arith.constant 0 : i32
    %dma_wait3A_37 = tpu.memref_slice %arg5[%dma_wait3A, %dma_wait3A_36] : memref<50x512xi32, #tpu.memory_space<vmem>> -> memref<1x128xi32, #tpu.memory_space<vmem>>
    %dma_wait3A_38 = tpu.memref_squeeze %dma_wait3A_37 : memref<1x128xi32, #tpu.memory_space<vmem>> -> memref<128xi32, #tpu.memory_space<vmem>>
    %dma_wait3A_39 = arith.constant 0 : i32
    %dma_wait3A_40 = arith.constant 0 : i32
    %dma_wait3A_41 = tpu.memref_slice %arg3[%dma_wait3A_39, %dma_wait3A_40] : memref<1000000x64xf32, #tpu.memory_space<hbm>> -> memref<1000000x64xf32, #tpu.memory_space<hbm>>
    tpu.wait_indirect_dma semaphore(%arg7 : memref<!tpu.dma_semaphore, #tpu.memory_space<semaphore_mem>>) src(%dma_wait3A_41 : memref<1000000x64xf32, #tpu.memory_space<hbm>>) dst(%dma_wait3A_35 : memref<128x64xf32, #tpu.memory_space<vmem>>)
    %add3A_42 = arith.constant 256 : i32
    %add3A_43 = arith.addi %mul3A_2, %add3A_42 : i32
    %dma_start3A_44 = arith.constant 0 : i32
    %dma_start3A_45 = arith.constant 49 : i32
    %dma_start3A_46 = arith.constant 0 : i32
    %dma_start3A_47 = arith.constant 0 : i32
    %dma_start3A_48 = tpu.memref_slice %arg6[%dma_start3A_44, %dma_start3A_46, %dma_start3A_47] : memref<2x128x64xf32, #tpu.memory_space<vmem>> -> memref<1x128x64xf32, #tpu.memory_space<vmem>>
    %dma_start3A_49 = tpu.memref_squeeze %dma_start3A_48 : memref<1x128x64xf32, #tpu.memory_space<vmem>> -> memref<128x64xf32, #tpu.memory_space<vmem>>
    %dma_start3A_50 = arith.constant 0 : i32
    %dma_start3A_51 = tpu.memref_slice %arg4[%dma_start3A_45, %add3A_43, %dma_start3A_50] : memref<50x16384x64xf32, #tpu.memory_space<hbm>> -> memref<1x128x64xf32, #tpu.memory_space<hbm>>
    %dma_start3A_52 = tpu.memref_squeeze %dma_start3A_51 : memref<1x128x64xf32, #tpu.memory_space<hbm>> -> memref<128x64xf32, #tpu.memory_space<hbm>>
    %dma_start3A_53 = arith.constant 0 : i32
    %dma_start3A_54 = tpu.memref_slice %arg4[%dma_start3A_45, %add3A_43, %dma_start3A_53] : memref<50x16384x64xf32, #tpu.memory_space<hbm>> -> memref<1x128x64xf32, #tpu.memory_space<hbm>>
    %dma_start3A_55 = tpu.memref_squeeze %dma_start3A_54 : memref<1x128x64xf32, #tpu.memory_space<hbm>> -> memref<128x64xf32, #tpu.memory_space<hbm>>
    %dma_start3A_56 = arith.constant 0 : i32
    %dma_start3A_57 = arith.constant 0 : i32
    %dma_start3A_58 = tpu.memref_slice %arg6[%dma_start3A_44, %dma_start3A_56, %dma_start3A_57] : memref<2x128x64xf32, #tpu.memory_space<vmem>> -> memref<1x128x64xf32, #tpu.memory_space<vmem>>
    %dma_start3A_59 = tpu.memref_squeeze %dma_start3A_58 : memref<1x128x64xf32, #tpu.memory_space<vmem>> -> memref<128x64xf32, #tpu.memory_space<vmem>>
    tpu.enqueue_dma source(%dma_start3A_59 : memref<128x64xf32, #tpu.memory_space<vmem>>) target(%dma_start3A_55 : memref<128x64xf32, #tpu.memory_space<hbm>>) target_semaphore(%arg9 : memref<!tpu.dma_semaphore, #tpu.memory_space<semaphore_mem>>)
    %dma_wait3A_60 = arith.constant 0 : i32
    %dma_wait3A_61 = arith.constant 1 : i32
    %dma_wait3A_62 = arith.constant 0 : i32
    %dma_wait3A_63 = arith.constant 0 : i32
    %dma_wait3A_64 = tpu.memref_slice %arg6[%dma_wait3A_61, %dma_wait3A_62, %dma_wait3A_63] : memref<2x128x64xf32, #tpu.memory_space<vmem>> -> memref<1x128x64xf32, #tpu.memory_space<vmem>>
    %dma_wait3A_65 = tpu.memref_squeeze %dma_wait3A_64 : memref<1x128x64xf32, #tpu.memory_space<vmem>> -> memref<128x64xf32, #tpu.memory_space<vmem>>
    %dma_wait3A_66 = arith.constant 0 : i32
    %dma_wait3A_67 = tpu.memref_slice %arg5[%dma_wait3A_60, %dma_wait3A_66] : memref<50x512xi32, #tpu.memory_space<vmem>> -> memref<1x128xi32, #tpu.memory_space<vmem>>
    %dma_wait3A_68 = tpu.memref_squeeze %dma_wait3A_67 : memref<1x128xi32, #tpu.memory_space<vmem>> -> memref<128xi32, #tpu.memory_space<vmem>>
    %dma_wait3A_69 = arith.constant 0 : i32
    %dma_wait3A_70 = arith.constant 0 : i32
    %dma_wait3A_71 = tpu.memref_slice %arg3[%dma_wait3A_69, %dma_wait3A_70] : memref<1000000x64xf32, #tpu.memory_space<hbm>> -> memref<1000000x64xf32, #tpu.memory_space<hbm>>
    tpu.wait_indirect_dma semaphore(%arg8 : memref<!tpu.dma_semaphore, #tpu.memory_space<semaphore_mem>>) src(%dma_wait3A_71 : memref<1000000x64xf32, #tpu.memory_space<hbm>>) dst(%dma_wait3A_65 : memref<128x64xf32, #tpu.memory_space<vmem>>)
    %add3A_72 = arith.constant 384 : i32
    %add3A_73 = arith.addi %mul3A_2, %add3A_72 : i32
    %dma_start3A_74 = arith.constant 1 : i32
    %dma_start3A_75 = arith.constant 49 : i32
    %dma_start3A_76 = arith.constant 0 : i32
    %dma_start3A_77 = arith.constant 0 : i32
    %dma_start3A_78 = tpu.memref_slice %arg6[%dma_start3A_74, %dma_start3A_76, %dma_start3A_77] : memref<2x128x64xf32, #tpu.memory_space<vmem>> -> memref<1x128x64xf32, #tpu.memory_space<vmem>>
    %dma_start3A_79 = tpu.memref_squeeze %dma_start3A_78 : memref<1x128x64xf32, #tpu.memory_space<vmem>> -> memref<128x64xf32, #tpu.memory_space<vmem>>
    %dma_start3A_80 = arith.constant 0 : i32
    %dma_start3A_81 = tpu.memref_slice %arg4[%dma_start3A_75, %add3A_73, %dma_start3A_80] : memref<50x16384x64xf32, #tpu.memory_space<hbm>> -> memref<1x128x64xf32, #tpu.memory_space<hbm>>
    %dma_start3A_82 = tpu.memref_squeeze %dma_start3A_81 : memref<1x128x64xf32, #tpu.memory_space<hbm>> -> memref<128x64xf32, #tpu.memory_space<hbm>>
    %dma_start3A_83 = arith.constant 0 : i32
    %dma_start3A_84 = tpu.memref_slice %arg4[%dma_start3A_75, %add3A_73, %dma_start3A_83] : memref<50x16384x64xf32, #tpu.memory_space<hbm>> -> memref<1x128x64xf32, #tpu.memory_space<hbm>>
    %dma_start3A_85 = tpu.memref_squeeze %dma_start3A_84 : memref<1x128x64xf32, #tpu.memory_space<hbm>> -> memref<128x64xf32, #tpu.memory_space<hbm>>
    %dma_start3A_86 = arith.constant 0 : i32
    %dma_start3A_87 = arith.constant 0 : i32
    %dma_start3A_88 = tpu.memref_slice %arg6[%dma_start3A_74, %dma_start3A_86, %dma_start3A_87] : memref<2x128x64xf32, #tpu.memory_space<vmem>> -> memref<1x128x64xf32, #tpu.memory_space<vmem>>
    %dma_start3A_89 = tpu.memref_squeeze %dma_start3A_88 : memref<1x128x64xf32, #tpu.memory_space<vmem>> -> memref<128x64xf32, #tpu.memory_space<vmem>>
    tpu.enqueue_dma source(%dma_start3A_89 : memref<128x64xf32, #tpu.memory_space<vmem>>) target(%dma_start3A_85 : memref<128x64xf32, #tpu.memory_space<hbm>>) target_semaphore(%arg10 : memref<!tpu.dma_semaphore, #tpu.memory_space<semaphore_mem>>)
    %dma_wait3A_90 = arith.constant 0 : i32
    %dma_wait3A_91 = arith.constant 0 : i32
    %dma_wait3A_92 = arith.constant 0 : i32
    %dma_wait3A_93 = arith.constant 0 : i32
    %dma_wait3A_94 = tpu.memref_slice %arg6[%dma_wait3A_90, %dma_wait3A_92, %dma_wait3A_93] : memref<2x128x64xf32, #tpu.memory_space<vmem>> -> memref<1x128x64xf32, #tpu.memory_space<vmem>>
    %dma_wait3A_95 = tpu.memref_squeeze %dma_wait3A_94 : memref<1x128x64xf32, #tpu.memory_space<vmem>> -> memref<128x64xf32, #tpu.memory_space<vmem>>
    %dma_wait3A_96 = arith.constant 0 : i32
    %dma_wait3A_97 = tpu.memref_slice %arg4[%dma_wait3A_91, %mul3A_2, %dma_wait3A_96] : memref<50x16384x64xf32, #tpu.memory_space<hbm>> -> memref<1x128x64xf32, #tpu.memory_space<hbm>>
    %dma_wait3A_98 = tpu.memref_squeeze %dma_wait3A_97 : memref<1x128x64xf32, #tpu.memory_space<hbm>> -> memref<128x64xf32, #tpu.memory_space<hbm>>
    %dma_wait3A_99 = arith.constant 0 : i32
    %dma_wait3A_100 = tpu.memref_slice %arg4[%dma_wait3A_91, %mul3A_2, %dma_wait3A_99] : memref<50x16384x64xf32, #tpu.memory_space<hbm>> -> memref<1x128x64xf32, #tpu.memory_space<hbm>>
    %dma_wait3A_101 = tpu.memref_squeeze %dma_wait3A_100 : memref<1x128x64xf32, #tpu.memory_space<hbm>> -> memref<128x64xf32, #tpu.memory_space<hbm>>
    %dma_wait3A_102 = arith.constant 0 : i32
    %dma_wait3A_103 = arith.constant 0 : i32
    %dma_wait3A_104 = tpu.memref_slice %arg6[%dma_wait3A_90, %dma_wait3A_102, %dma_wait3A_103] : memref<2x128x64xf32, #tpu.memory_space<vmem>> -> memref<1x128x64xf32, #tpu.memory_space<vmem>>
    %dma_wait3A_105 = tpu.memref_squeeze %dma_wait3A_104 : memref<1x128x64xf32, #tpu.memory_space<vmem>> -> memref<128x64xf32, #tpu.memory_space<vmem>>
    tpu.wait_dma2 semaphore(%arg9 : memref<!tpu.dma_semaphore, #tpu.memory_space<semaphore_mem>>) src(%dma_wait3A_105 : memref<128x64xf32, #tpu.memory_space<vmem>>) dst(%dma_wait3A_101 : memref<128x64xf32, #tpu.memory_space<hbm>>)
    %dma_wait3A_106 = arith.constant 1 : i32
    %dma_wait3A_107 = arith.constant 0 : i32
    %dma_wait3A_108 = arith.constant 0 : i32
    %dma_wait3A_109 = arith.constant 0 : i32
    %dma_wait3A_110 = tpu.memref_slice %arg6[%dma_wait3A_106, %dma_wait3A_108, %dma_wait3A_109] : memref<2x128x64xf32, #tpu.memory_space<vmem>> -> memref<1x128x64xf32, #tpu.memory_space<vmem>>
    %dma_wait3A_111 = tpu.memref_squeeze %dma_wait3A_110 : memref<1x128x64xf32, #tpu.memory_space<vmem>> -> memref<128x64xf32, #tpu.memory_space<vmem>>
    %dma_wait3A_112 = arith.constant 0 : i32
    %dma_wait3A_113 = tpu.memref_slice %arg4[%dma_wait3A_107, %mul3A_2, %dma_wait3A_112] : memref<50x16384x64xf32, #tpu.memory_space<hbm>> -> memref<1x128x64xf32, #tpu.memory_space<hbm>>
    %dma_wait3A_114 = tpu.memref_squeeze %dma_wait3A_113 : memref<1x128x64xf32, #tpu.memory_space<hbm>> -> memref<128x64xf32, #tpu.memory_space<hbm>>
    %dma_wait3A_115 = arith.constant 0 : i32
    %dma_wait3A_116 = tpu.memref_slice %arg4[%dma_wait3A_107, %mul3A_2, %dma_wait3A_115] : memref<50x16384x64xf32, #tpu.memory_space<hbm>> -> memref<1x128x64xf32, #tpu.memory_space<hbm>>
    %dma_wait3A_117 = tpu.memref_squeeze %dma_wait3A_116 : memref<1x128x64xf32, #tpu.memory_space<hbm>> -> memref<128x64xf32, #tpu.memory_space<hbm>>
    %dma_wait3A_118 = arith.constant 0 : i32
    %dma_wait3A_119 = arith.constant 0 : i32
    %dma_wait3A_120 = tpu.memref_slice %arg6[%dma_wait3A_106, %dma_wait3A_118, %dma_wait3A_119] : memref<2x128x64xf32, #tpu.memory_space<vmem>> -> memref<1x128x64xf32, #tpu.memory_space<vmem>>
    %dma_wait3A_121 = tpu.memref_squeeze %dma_wait3A_120 : memref<1x128x64xf32, #tpu.memory_space<vmem>> -> memref<128x64xf32, #tpu.memory_space<vmem>>
    tpu.wait_dma2 semaphore(%arg10 : memref<!tpu.dma_semaphore, #tpu.memory_space<semaphore_mem>>) src(%dma_wait3A_121 : memref<128x64xf32, #tpu.memory_space<vmem>>) dst(%dma_wait3A_117 : memref<128x64xf32, #tpu.memory_space<hbm>>)
    return
  }
}

</mosaic_0001>

<sc_bundles>
// kernel: kernel.3.cloned.1.call-start
scs
__scs_entry_jumppad:
0x0: {  	(pc) =	sbr.rel $0x88, $3  }
0x1: {  	(tag) =	ssettag $0x0;
	lr =	simm.s32 $0x1  }
0x2: {  	[smem:$0x3F9F] =	sst lr;
	_ =	strace $0xD0000000  }
0x3: {  	_ = 	snop  }
0x4: {  	_ = 	snop  }
0x5: {  	_ = 	snop  }
0x6: {  	_ = 	snop  }
0x7: {  	_ = 	snop  }
__scs_overlays_trampoline_lowered:
0x8: {  	[smem:$0x3FAE] =	sst s0  }
0x9: {  	[smem:$0x3FAF] =	sst s1  }
0xa: {  	[smem:$0x3FB0] =	sst s2  }
0xb: {  	[smem:$0x3FB1] =	sst s3  }
0xc: {  	[smem:$0x3FB2] =	sst s4  }
0xd: {  	[smem:$0x3FB3] =	sst s5  }
0xe: {  	[smem:$0x3FB4] =	sst s6  }
0xf: {  	[smem:$0x3FB5] =	sst s7  }
0x10: {  	[smem:$0x3FB6] =	sst s8  }
0x11: {  	[smem:$0x3FB7] =	sst s9;
	s0 =	simm.s32 @!p0 $0x0  }
0x12: {  	s1 =	sld [smem:$0x3F9D];
	s0 =	simm.s32 @p0 $0x1  }
0x13: {  	[smem:$0x3FB8] =	sst s0;
	s0 =	simm.s32 @!p1 $0x0  }
0x14: {  	s2 =	sld [smem:$0x3F9C];
	s0 =	simm.s32 @p1 $0x1  }
0x15: {  	[smem:$0x3FB9] =	sst s0;
	s0 =	simm.s32 @!p2 $0x0  }
0x16: {  	s3 =	sld [smem:$0x3FDB];
	s0 =	simm.s32 @p2 $0x1  }
0x17: {  	s4 =	simm.s32 $0x1BF5;
	[smem:$0x3FBB] =	sst s0  }
0x18: {  	s0 =	sld [smem:$0x3F9E];
	_ =	swait.ge [sflag:s4], $0x0  }
0x19: {  	s7 =	sld [smem:$0x3F9F]  }
0x1a: {  	s8 =	sadd.s32 $0xFFFFE003, lr  }
0x1b: {  	s9 =	sadd.s32 $0xFFFFFEF7, lr;
	s5 =	simm.s32 $0xFFFFFFFF;
	p2 =	slt.u32 s8, $0xFFFFF086  }
0x1c: {  	p1 =	slt.u32 s9, $0xF7A;
	s5 =	simm.s32 @!p2 $0x0  }
0x1d: {  	s5 =	simm.s32 @p1 $0x1;
	p0 =	seq.s32 s7, s2  }
0x1e: {  	s7 =	smul.u32 @!p0 $0xF7A, s2;
	p2 =	seq.s32 @!p0 s5, $0x0  }
0x1f: {  	s9 =	smul.u32 $0xF7A, s1;
	s8 =	simm.s32 @!p0 $0x1BF5;
	p2 =	por !p2, p0  }
0x20: {  	[sflag:s8] =	ssyncset.s32 @!p0 $0xFFFFF086;
	s6 =	sadd.s32 @!p0 s3, s7;
	s7 =	simm.s32 @!p0 $0x108  }
0x21: {  	s3 =	sadd.s32 s3, s9;
	s6 =	sadd.s32 @!p0 $0x88, s6;
	s7 =	simm.s32 @p2 $0x1082  }
0x22: {  	[simem:s7], [sflag:s8] =	dma.local @!p0 [hbm:s6], $0xF7A  }
0x23: {  	s9 =	sor.u32 $0xD0000000, s2;
	s6 =	simm.s32 $0x108;
	_ =	swait.ge @!p0 [sflag:s8], $0x0  }
0x24: {  	s3 =	sadd.s32 $0x88, s3;
	s6 =	simm.s32 @!p1 $0x1082;
	[sflag:s4] =	ssyncset.s32 $0xFFFFF086  }
0x25: {  	[simem:s6], [sflag:s4] =	dma.local [hbm:s3], $0xF7A  }
0x26: {  	[smem:$0x3F9F] =	sst s1;
	(tag) =	ssettag s2;
	_ =	strace s9  }
0x27: {  	s1 =	sld [smem:$0x3FAF]  }
0x28: {  	s2 =	sld [smem:$0x3FB0]  }
0x29: {  	s4 =	sld [smem:$0x3FB2]  }
0x2a: {  	p0 =	seq.s32 s5, $0x0;
	s5 =	sld [smem:$0x3FB3]  }
0x2b: {  	s6 =	sld [smem:$0x3FB4]  }
0x2c: {  	s7 =	sld [smem:$0x3FB5]  }
0x2d: {  	s3 =	simm.s32 $0x108;
	s8 =	sld [smem:$0x3FB6]  }
0x2e: {  	s3 =	simm.s32 @!p0 $0x1082;
	s9 =	sld [smem:$0x3FB7]  }
0x2f: {  	lr =	sadd.s32 s0, s3;
	s0 =	sld [smem:$0x3FAE]  }
0x30: {  	s3 =	sld [smem:$0x3FB1]  }
0x31: {  	[smem:$0x3FBA] =	sst s10  }
0x32: {  	s10 =	sld [smem:$0x3FB8];
	_ =	sdelay $0x3  }
0x33: {  	p0 =	seq.s32 s10, $0x1;
	s10 =	sld [smem:$0x3FBA];
	_ =	sdelay $0x3  }
0x34: {  	[smem:$0x3FBA] =	sst s10  }
0x35: {  	s10 =	sld [smem:$0x3FB9];
	_ =	sdelay $0x3  }
0x36: {  	p1 =	seq.s32 s10, $0x1;
	s10 =	sld [smem:$0x3FBA];
	_ =	sdelay $0x3  }
0x37: {  	[smem:$0x3FBA] =	sst s10  }
0x38: {  	s10 =	sld [smem:$0x3FBB]  }
0x39: {  	_ = 	snop;
	(pc) =	sbr.ind lr, $3  }
0x3a: {  	_ = 	snop  }
0x3b: {  	_ = 	snop  }
0x3c: {  	p2 =	seq.s32 s10, $0x1;
	s10 =	sld [smem:$0x3FBA]  }
0x3d: {  	_ =	shalt  }
0x3e: {  	_ =	shalt  }
0x3f: {  	_ =	shalt  }
0x40: {  	_ =	shalt  }
0x41: {  	_ =	shalt  }
0x42: {  	_ =	shalt  }
0x43: {  	_ =	shalt  }
0x44: {  	_ =	shalt  }
0x45: {  	_ =	shalt  }
0x46: {  	_ =	shalt  }
0x47: {  	_ =	shalt  }
0x48: {  	_ =	shalt  }
0x49: {  	_ =	shalt  }
0x4a: {  	_ =	shalt  }
0x4b: {  	_ =	shalt  }
0x4c: {  	_ =	shalt  }
0x4d: {  	_ =	shalt  }
0x4e: {  	_ =	shalt  }
0x4f: {  	_ =	shalt  }
0x50: {  	_ =	shalt  }
0x51: {  	_ =	shalt  }
0x52: {  	_ =	shalt  }
0x53: {  	_ =	shalt  }
0x54: {  	_ =	shalt  }
0x55: {  	_ =	shalt  }
0x56: {  	_ =	shalt  }
0x57: {  	_ =	shalt  }
0x58: {  	_ =	shalt  }
0x59: {  	_ =	shalt  }
0x5a: {  	_ =	shalt  }
0x5b: {  	_ =	shalt  }
0x5c: {  	_ =	shalt  }
0x5d: {  	_ =	shalt  }
0x5e: {  	_ =	shalt  }
0x5f: {  	_ =	shalt  }
0x60: {  	_ =	shalt  }
0x61: {  	_ =	shalt  }
0x62: {  	_ =	shalt  }
0x63: {  	_ =	shalt  }
0x64: {  	_ =	shalt  }
0x65: {  	_ =	shalt  }
0x66: {  	_ =	shalt  }
0x67: {  	_ =	shalt  }
0x68: {  	_ =	shalt  }
0x69: {  	_ =	shalt  }
0x6a: {  	_ =	shalt  }
0x6b: {  	_ =	shalt  }
0x6c: {  	_ =	shalt  }
0x6d: {  	_ =	shalt  }
0x6e: {  	_ =	shalt  }
0x6f: {  	_ =	shalt  }
0x70: {  	_ =	shalt  }
0x71: {  	_ =	shalt  }
0x72: {  	_ =	shalt  }
0x73: {  	_ =	shalt  }
0x74: {  	_ =	shalt  }
0x75: {  	_ =	shalt  }
0x76: {  	_ =	shalt  }
0x77: {  	_ =	shalt  }
0x78: {  	_ =	shalt  }
0x79: {  	_ =	shalt  }
0x7a: {  	_ =	shalt  }
0x7b: {  	_ =	shalt  }
0x7c: {  	_ =	shalt  }
0x7d: {  	_ =	shalt  }
0x7e: {  	_ =	shalt  }
0x7f: {  	_ =	shalt  }
0x80: {  	_ =	shalt  }
0x81: {  	_ =	shalt  }
0x82: {  	_ =	shalt  }
0x83: {  	_ =	shalt  }
0x84: {  	_ =	shalt  }
0x85: {  	_ =	shalt  }
0x86: {  	_ =	shalt  }
0x87: {  	_ =	shalt  }
.Lfunc_end0:
.L_simem_size_0:
called_computation.1_lowered:
.L_overlay_start_0:
0x88: {  	s2 =	sld [smem:$0x3FD9]  }
0x89: {  	s3 =	sld [smem:$0x3FFE];
	_ =	sdelay $0x1  }
0x8a: {  	s1 =	srdreg.scid  }
0x8b: {  	s0 =	sand.u32 $0x1, s1  }
0x8c: {  	s17 =	sshll.u32 s0, $0xA;
	s2 =	sadd.s32 s3, s2  }
0x8d: {  	s2 =	sadd.s32 s2, s17  }
0x8e: {  	[smem:$0x3FC6] =	sst s2  }
0x8f: {  	_ = 	snop  }
0x90: {  	s2 =	sld [smem:$0x3FD0];
	(tm) =	ssettm $0x1  }
0x91: {  	s18 =	sld [smem:$0x3FFB];
	_ =	sdelay $0x3  }
0x92: {  	_ =	strace s18  }
0x93: {  	s3 =	sld [smem:$0x3FFC];
	_ =	sdelay $0x3  }
0x94: {  	_ =	strace s3  }
0x95: {  	s3 =	sld [smem:$0x3FFD];
	_ =	sdelay $0x3  }
0x96: {  	_ =	strace s3  }
0x97: {  	_ =	strace $0x8FFFFFFF  }
0x98: {  	s19 =	sld [smem:$0x3FDB];
	_ =	sdelay $0x1  }
0x99: {  	s4 =	simm.s32 $_scs_section_size  }
0x9a: {  	s5 =	simm.s32 $_size__tile_overlayer_lowered;
	s6 =	simm.s32 $_tile_overlayer_lowered  }
0x9b: {  	s22 =	simm.s32 $0x1BFF;
	s21 =	sshll.u32 s6, $0x1;
	s3 =	sadd.s32 s4, s19  }
0x9c: {  	s7 =	simm.s32 $0x0;
	s20 =	sshll.u32 s5, $0x1;
	s5 =	sadd.s32 s21, s3  }
0x9d: {  	[timem:s7], [sflag:s22] =	dma.local [hbm:s5], s20  }
0x9e: {  	_ =	swait.ge [sflag:s22], s20  }
0x9f: {  	s4 =	ssub.s32 $0x0, s20;
	[sflag:s22] =	ssyncset.done $0x0  }
0xa0: {  	[sflag:s22] =	ssyncadd.s32 s4;
	_ =	sdelay $0x1  }
0xa1: {  	s23 =	simm.s32 $0x1B8B  }
0xa2: {  	_ =	swait.ge [sflag:s23], $0x1  }
0xa3: {  	[sflag:s23] =	ssyncset.done $0x0  }
0xa4: {  	s25 =	simm.s32 $0x1B8E;
	s24 =	sld [smem:$0x3FFE];
	[sflag:s23] =	ssyncadd.s32 $0xFFFFFFFF  }
0xa5: {  	s26 =	simm.s32 $execute0_lowered;
	[smem:$0x3FD2] =	sst s25  }
0xa6: {  	s5 =	sshll.u32 s26, $0x1;
	_ =	strace $0x80000046;
	[dreg:$0x1] =	wrdreg $0xFFFFFFFF  }
0xa7: {  	s28 =	simm.s32 $_size_execute0_lowered;
	s3 =	sadd.s32 s3, s5;
	[dreg:$0x0] =	wrdreg $0x0  }
0xa8: {  	s5 =	sshll.u32 s28, $0x1;
	[dreg:$0x2] =	wrdreg s3  }
0xa9: {  	[dreg:$0x3] =	wrdreg s5  }
0xaa: {  	[dreg:$0x4] =	wrdreg $0xC0  }
0xab: {  	_ =	task [dreg:s7], $0x5FFFF  }
0xac: {  	[dreg:$0x1] =	wrdreg $0xFFFFFFFF  }
0xad: {  	[dreg:$0x0] =	wrdreg $0x60  }
0xae: {  	[dreg:$0x2] =	wrdreg s24  }
0xaf: {  	[dreg:$0x3] =	wrdreg s2  }
0xb0: {  	[dreg:$0x4] =	wrdreg $0x9  }
0xb1: {  	_ =	task.clear_ibuf [dreg:s7], $0x5FFFF;
	_ =	strace $0x90000046  }
0xb2: {  	s29 =	simm.s32 $0x9;
	_ =	strace $0x80000048  }
0xb3: {  	_ =	swait.ge [sflag:s29], $0x1  }
0xb4: {  	[sflag:s29] =	ssyncadd.s32 $0xFFFFFFFF  }
0xb5: {  	_ =	strace $0x90000048  }
0xb6: {  	_ =	sfence  }
0xb7: {  	s30 =	sld [smem:$0x0];
	_ =	sdelay $0x2  }
0xb8: {  	s31 =	sshll.u32 s1, $0xD;
	s1 =	sshrl.u32 s1, $0x2  }
0xb9: {  	s3 =	sand.u32 $0x4000, s31;
	s1 =	sadd.s32 s1, s30  }
0xba: {  	s0 =	sor.u32 s3, s0;
	s1 =	sshll.u32 s1, $0x11  }
0xbb: {  	s0 =	sor.u32 s1, s0  }
0xbc: {  	s0 =	sadd.s32 $0x8F2B, s0  }
0xbd: {  	[sflag:s0] =	ssyncadd.remote.s32 $0x1  }
0xbe: {  	_ =	sfence.sel $0xFFFF  }
0xbf: {  	[dreg:$0x0] =	wrdreg $0xFFFFFFFF;
	(pc) =	sbr.abs _section_cstart, $3  }
0xc0: {  	[dreg:$0x1] =	wrdreg $0xFFFFFFFF  }
0xc1: {  	_ =	task.clear_ibuf [dreg:s7], $0x2FFFF;
	_ =	strace $0x9FFFFFFF  }
0xc2: {  	(tm) =	ssettm $0x7FFFFFFF  }
0xc3: {  	_ =	shalt  }
tec
execute0_lowered:
.L_overlay_start_1:
0x0: {  	(tag) =	ssettag $0x1  }
0x1: {  	s1 =	srdreg.scid;
	s5 =	rddreg [dreg:$0x0]  }
0x2: {  	s0 =	stileid.u32;
	s2 =	rddreg [dreg:$0x1];
	s3 =	simm.s32 $0x0  }
0x3: {  	s11 =	simm.s32 $0x4000;
	s12 =	simm.s32 $0x5;
	s13 =	simm.s32 $0x80  }
0x4: {  	s14 =	simm.s32 $0x6400;
	s15 =	simm.s32 $0x8400;
	s16 =	simm.s32 $0x1  }
0x5: {  	s17 =	simm.s32 $0x2;
	s18 =	simm.s32 $0x3;
	s19 =	simm.s32 $0x4  }
0x6: {  	s20 =	simm.s32 $0x0;
	s6 =	sand.u32 $0x1, s1;
	s1 =	rddreg [dreg:$0x2]  }
0x7: {  	s4 =	sshll.u32 s0, $0xA;
	[smem:$0x7FF] =	sst s3;
	s7 =	sshll.u32 s6, $0x9  }
0x8: {  	_ =	strace $0x80000047;
	s8 =	ssub.s32 $0x2, s6;
	s4 =	sor.u32 s7, s4  }
0x9: {  	s10 =	sshrl.u32 s8, $0x1;
	s7 =	sshrl.u32 s4, $0x3;
	s9 =	sshll.u32 s4, $0x3  }
0xa: {  	s7 =	sadd.s32 s7, s5;
	s5 =	sadd.s32 $0xF42E00, s5;
	s9 =	sadd.s32 s9, s2  }
0xb: {  	s10 =	ssub.s32 s8, s10;
	s6 =	sadd.s32 $0xA00, s7;
	s7 =	sadd.s32 $0x620800, s9  }
0xc: {  	s8 =	sadd.s32 $0x620C00, s9;
	s9 =	smax.u32 s10, $0x1;
	s10 =	simm.s32 $0x200  }
.LBB2_1:
0xd: {  	[tilespmem:s3], [sflag:$0x5] =	stream.strided.gather [hbm4b:s6+s10], $0x6400, s11, s10, $0x38;
	[tilespmem:$0xA400] =	vst v63  }
0xe: {  	_ =	swait.ge [sflag:s12], $0x6400  }
0xf: {  	[sflag:s12] =	ssyncset.done $0x0  }
0x10: {  	s21 =	simm.s32 $0x0;
	[sflag:s12] =	ssyncadd.s32 $0xFFFF9C00  }
0x11: {  	[tilespmem:s14], [sflag:$0x1] =	stream.indirect.gather [hbm4b:s5+s13], $0x40, s3, s13, $0xb8;
	[tilespmem:$0xA400] =	vst v63  }
0x12: {  	s21 =	sand.u32 $0x100, s21  }
0x13: {  	[tilespmem:s15], [sflag:$0x2] =	stream.indirect.gather [hbm4b:s5+s13], $0x40, s13, s13, $0xb8;
	[tilespmem:$0xA400] =	vst v63  }
0x14: {  	s22 =	sand.u32 $0x7E0000, s3;
	s21 =	sor.u32 s4, s21;
	_ =	swait.ge [sflag:s16], $0x2000  }
0x15: {  	s22 =	sadd.s32 s2, s22;
	s21 =	sshll.u32 s21, $0x3;
	[sflag:s16] =	ssyncset.done $0x0  }
0x16: {  	s22 =	sadd.s32 s21, s22;
	[sflag:s16] =	ssyncadd.s32 $0xFFFFE000  }
0x17: {  	[hbm4b:s22+s3] =	stream.linear.scatter [tilespmem:s14], [sflag:$0x3], $0x2000, $0x38;
	[tilespmem:$0xA400] =	vst v63  }
0x18: {  	s26 =	simm.s32 $0x180;
	s24 =	simm.s32 $0x600;
	_ =	swait.ge [sflag:s17], $0x2000  }
0x19: {  	s23 =	simm.s32 $0x100;
	s25 =	simm.s32 $0x400;
	[sflag:s17] =	ssyncset.done $0x0  }
0x1a: {  	s30 =	simm.s32 $0x100;
	s22 =	sadd.s32 $0x400, s22;
	[sflag:s17] =	ssyncadd.s32 $0xFFFFE000  }
0x1b: {  	[hbm4b:s22+s3] =	stream.linear.scatter [tilespmem:s15], [sflag:$0x4], $0x2000, $0x38;
	[tilespmem:$0xA400] =	vst v63  }
0x1c: {  	s25 =	sand.u32 $0x3F800, s25;
	s31 =	sand.u32 $0x3F800, s24;
	_ =	swait.ge [sflag:s18], $0x2000  }
0x1d: {  	s28 =	sshrl.u32 s25, $0x2;
	s22 =	sand.u32 $0x100, s30;
	[sflag:s18] =	ssyncset.done $0x0  }
0x1e: {  	s24 =	simm.s32 $0x10000;
	s22 =	sor.u32 s22, s28;
	[sflag:s18] =	ssyncadd.s32 $0xFFFFE000  }
0x1f: {  	[tilespmem:s14], [sflag:$0x1] =	stream.indirect.gather [hbm4b:s5+s13], $0x40, s22, s13, $0xb8;
	[tilespmem:$0xA400] =	vst v63  }
0x20: {  	s26 =	sand.u32 $0x180, s26;
	s25 =	simm.s32 $0x380;
	_ =	swait.ge [sflag:s19], $0x2000  }
0x21: {  	s21 =	simm.s32 $0x280;
	s22 =	sshrl.u32 s31, $0x2;
	[sflag:s19] =	ssyncset.done $0x0  }
0x22: {  	s26 =	sor.u32 s26, s22;
	s22 =	simm.s32 $0xA00;
	[sflag:s19] =	ssyncadd.s32 $0xFFFFE000  }
.LBB2_2:
0x23: {  	[tilespmem:s15], [sflag:$0x2] =	stream.indirect.gather [hbm4b:s5+s13], $0x40, s26, s13, $0xb8;
	[tilespmem:$0xA400] =	vst v63  }
0x24: {  	s26 =	smov.u32 s21;
	s21 =	smov.u32 s25  }
0x25: {  	s28 =	sand.u32 $0x100, s23;
	s23 =	sadd.s32 $0xFFFFFE80, s25;
	_ =	swait.ge [sflag:s16], $0x2000  }
0x26: {  	s29 =	sadd.s32 $0x100, s25;
	s30 =	sand.u32 $0x7E0000, s24;
	s28 =	sor.u32 s4, s28  }
0x27: {  	s30 =	sadd.s32 s2, s30;
	s28 =	sshll.u32 s28, $0x3;
	[sflag:s16] =	ssyncset.done $0x0  }
0x28: {  	p0 =	sne.s32 s25, $0x6380;
	s25 =	sadd.s32 s28, s30;
	[sflag:s16] =	ssyncadd.s32 $0xFFFFE000  }
0x29: {  	[hbm4b:s25+s3] =	stream.linear.scatter [tilespmem:s14], [sflag:$0x3], $0x2000, $0x38;
	[tilespmem:$0xA400] =	vst v63  }
0x2a: {  	_ =	swait.ge [sflag:s17], $0x2000  }
0x2b: {  	s24 =	sadd.s32 $0x10000, s24;
	[sflag:s17] =	ssyncset.done $0x0  }
0x2c: {  	s28 =	sadd.s32 $0xFFFFFE00, s22;
	s25 =	sadd.s32 $0x400, s25;
	[sflag:s17] =	ssyncadd.s32 $0xFFFFE000  }
0x2d: {  	[hbm4b:s25+s3] =	stream.linear.scatter [tilespmem:s15], [sflag:$0x4], $0x2000, $0x38;
	[tilespmem:$0xA400] =	vst v63  }
0x2e: {  	s28 =	sand.u32 $0x3F800, s28;
	s25 =	sadd.s32 $0xFFFFFF80, s26;
	_ =	swait.ge [sflag:s18], $0x2000  }
0x2f: {  	s28 =	sshrl.u32 s28, $0x2;
	s25 =	sand.u32 $0x100, s25;
	[sflag:s18] =	ssyncset.done $0x0  }
.Ltmp0:
0x30: {  	s25 =	sor.u32 s25, s28;
	[sflag:s18] =	ssyncadd.s32 $0xFFFFE000;
	(pc) =	sbr.rel @p0 .LBB2_2-.Ltmp0, $4  }
0x31: {  	[tilespmem:s14], [sflag:$0x1] =	stream.indirect.gather [hbm4b:s5+s13], $0x40, s25, s13, $0xb8;
	[tilespmem:$0xA400] =	vst v63  }
0x32: {  	s26 =	sand.u32 $0x180, s26;
	s25 =	sand.u32 $0x3F800, s22;
	_ =	swait.ge [sflag:s19], $0x2000  }
0x33: {  	s22 =	sadd.s32 $0x400, s22;
	s25 =	sshrl.u32 s25, $0x2;
	[sflag:s19] =	ssyncset.done $0x0  }
0x34: {  	s26 =	sor.u32 s26, s25;
	s25 =	smov.u32 s29;
	[sflag:s19] =	ssyncadd.s32 $0xFFFFE000  }
0x35: {  	[tilespmem:s15], [sflag:$0x2] =	stream.indirect.gather [hbm4b:s5+s13], $0x40, s26, s13, $0xb8;
	[tilespmem:$0xA400] =	vst v63  }
0x36: {  	s23 =	sand.u32 $0x100, s23  }
0x37: {  	s24 =	sand.u32 $0x7E0000, s24;
	_ =	swait.ge [sflag:s16], $0x2000;
	s23 =	sor.u32 s4, s23  }
0x38: {  	s24 =	sadd.s32 s2, s24;
	[sflag:s16] =	ssyncset.done $0x0;
	s23 =	sshll.u32 s23, $0x3  }
0x39: {  	[sflag:s16] =	ssyncadd.s32 $0xFFFFE000;
	s23 =	sadd.s32 s23, s24  }
0x3a: {  	[hbm4b:s23+s3] =	stream.linear.scatter [tilespmem:s14], [sflag:$0x3], $0x2000, $0x38;
	[tilespmem:$0xA400] =	vst v63  }
0x3b: {  	_ =	swait.ge [sflag:s17], $0x2000  }
0x3c: {  	[sflag:s17] =	ssyncset.done $0x0  }
0x3d: {  	s28 =	sadd.s32 $0xFFFFFE00, s22;
	s23 =	sadd.s32 $0x400, s23;
	[sflag:s17] =	ssyncadd.s32 $0xFFFFE000  }
0x3e: {  	[hbm4b:s23+s3] =	stream.linear.scatter [tilespmem:s15], [sflag:$0x4], $0x2000, $0x38;
	[tilespmem:$0xA400] =	vst v63  }
0x3f: {  	s29 =	sadd.s32 $0xFFFFFF80, s21;
	s24 =	sand.u32 $0x3F800, s28;
	_ =	swait.ge [sflag:s18], $0x2000  }
0x40: {  	s24 =	sshrl.u32 s24, $0x2;
	s23 =	sand.u32 $0x100, s29;
	[sflag:s18] =	ssyncset.done $0x0  }
0x41: {  	s23 =	sor.u32 s23, s24;
	[sflag:s18] =	ssyncadd.s32 $0xFFFFE000  }
0x42: {  	[tilespmem:s14], [sflag:$0x1] =	stream.indirect.gather [hbm4b:s5+s13], $0x40, s23, s13, $0xb8;
	[tilespmem:$0xA400] =	vst v63  }
0x43: {  	s30 =	sand.u32 $0x3F800, s22;
	_ =	swait.ge [sflag:s19], $0x2000  }
0x44: {  	s31 =	sand.u32 $0x180, s21;
	s22 =	sshrl.u32 s30, $0x2;
	[sflag:s19] =	ssyncset.done $0x0  }
0x45: {  	s21 =	sor.u32 s31, s22;
	[sflag:s19] =	ssyncadd.s32 $0xFFFFE000  }
0x46: {  	[tilespmem:s15], [sflag:$0x2] =	stream.indirect.gather [hbm4b:s5+s13], $0x40, s21, s13, $0xb8;
	[tilespmem:$0xA400] =	vst v63  }
0x47: {  	_ =	swait.ge [sflag:s16], $0x2000  }
0x48: {  	[sflag:s16] =	ssyncset.done $0x0  }
0x49: {  	[sflag:s16] =	ssyncadd.s32 $0xFFFFE000  }
0x4a: {  	[hbm4b:s7+s3] =	stream.linear.scatter [tilespmem:s14], [sflag:$0x3], $0x2000, $0x38;
	[tilespmem:$0xA400] =	vst v63  }
0x4b: {  	_ =	swait.ge [sflag:s17], $0x2000  }
0x4c: {  	[sflag:s17] =	ssyncset.done $0x0  }
0x4d: {  	s20 =	sadd.s32 $0x1, s20;
	[sflag:s17] =	ssyncadd.s32 $0xFFFFE000  }
0x4e: {  	[hbm4b:s8+s3] =	stream.linear.scatter [tilespmem:s15], [sflag:$0x4], $0x2000, $0x38;
	[tilespmem:$0xA400] =	vst v63  }
0x4f: {  	p0 =	sne.s32 s20, s9;
	_ =	swait.ge [sflag:s18], $0x2000  }
.Ltmp1:
0x50: {  	[sflag:s18] =	ssyncset.done $0x0;
	(pc) =	sbr.rel @p0 .LBB2_1-.Ltmp1, $4  }
0x51: {  	[sflag:s18] =	ssyncadd.s32 $0xFFFFE000  }
0x52: {  	_ =	swait.ge [sflag:s19], $0x2000  }
0x53: {  	[sflag:s19] =	ssyncset.done $0x0  }
0x54: {  	[sflag:s19] =	ssyncadd.s32 $0xFFFFE000  }
0x55: {  	_ =	sfence.sel $0x180000  }
0x56: {  	[bflag:$0x0] =	sbarrier.arrive $0xFFFF  }
0x57: {  	p0 =	sne.s32 s0, $0x0;
	_ =	strace $0x90000047  }
0x58: {  	s0 =	sadd.s32 @!p0 $0x100000, s1;
	[bflag:$0x2] =	sbarrier.arrive $0xFFFF  }
0x59: {  	[sflag:s0] =	ssyncadd.tile.s32 @!p0 $0x1;
	_ =	shalt  }
.Lfunc_end2:
_tile_overlayer_lowered:
.L_overlay_start_2:
0x5a: {  	(tag) =	ssettag $0x2  }
0x5b: {  	s0 =	rddreg [dreg:$0x0];
	s2 =	stileid.u32  }
0x5c: {  	s1 =	rddreg [dreg:$0x1];
	p0 =	sne.s32 s2, $0x0  }
0x5d: {  	s3 =	rddreg [dreg:$0x2];
	[bflag:$0x3] =	sbarrier.arrive $0xFFFF;
	s2 =	simm.s32 @!p0 $0x1C05  }
0x5e: {  	[timem:s3], [sflag:s2] =	dma.local @!p0 [hbm:s0], s1  }
0x5f: {  	s0 =	simm.s32 @!p0 $0x5  }
0x60: {  	_ =	swait.ge @!p0 [sflag:s0], s1  }
0x61: {  	s1 =	ssub.s32 @!p0 $0x0, s1;
	[sflag:s0] =	ssyncset.done @!p0 $0x0  }
0x62: {  	[sflag:s0] =	ssyncadd.s32 @!p0 s1  }
0x63: {  	[bflag:$0x3] =	sbarrier.arrive $0xFFFF  }
0x64: {  	_ =	shalt  }

// kernel: sparse-core-data-format-call.cloned.1.call-start
scs
called_computation_lowered:
.L_overlay_start_0:
0x0: {  	s2 =	sld [smem:$0x3FD9]  }
0x1: {  	s3 =	sld [smem:$0x3FFE];
	_ =	sdelay $0x1  }
0x2: {  	s1 =	srdreg.scid  }
0x3: {  	s0 =	sand.u32 $0x1, s1  }
0x4: {  	s18 =	sshll.u32 s0, $0xA;
	s2 =	sadd.s32 s3, s2  }
0x5: {  	s2 =	sadd.s32 s2, s18  }
0x6: {  	[smem:$0x3FC6] =	sst s2  }
0x7: {  	_ = 	snop  }
0x8: {  	s2 =	sld [smem:$0x3FD0];
	(tm) =	ssettm $0x1  }
0x9: {  	s19 =	sld [smem:$0x3FFB];
	_ =	sdelay $0x3  }
0xa: {  	_ =	strace s19  }
0xb: {  	s3 =	sld [smem:$0x3FFC];
	_ =	sdelay $0x3  }
0xc: {  	_ =	strace s3  }
0xd: {  	s3 =	sld [smem:$0x3FFD];
	_ =	sdelay $0x3  }
0xe: {  	_ =	strace s3  }
0xf: {  	_ =	strace $0x8FFFFFFF  }
0x10: {  	s20 =	sld [smem:$0x3FDB];
	_ =	sdelay $0x1  }
0x11: {  	s4 =	simm.s32 $_scs_section_size  }
0x12: {  	s5 =	simm.s32 $_size__tile_overlayer_lowered;
	s6 =	simm.s32 $_tile_overlayer_lowered  }
0x13: {  	s23 =	simm.s32 $0x1BFF;
	s22 =	sshll.u32 s6, $0x1;
	s3 =	sadd.s32 s4, s20  }
0x14: {  	s7 =	simm.s32 $0x0;
	s21 =	sshll.u32 s5, $0x1;
	s5 =	sadd.s32 s22, s3  }
0x15: {  	[timem:s7], [sflag:s23] =	dma.local [hbm:s5], s21  }
0x16: {  	_ =	swait.ge [sflag:s23], s21  }
0x17: {  	s4 =	ssub.s32 $0x0, s21;
	[sflag:s23] =	ssyncset.done $0x0  }
0x18: {  	[sflag:s23] =	ssyncadd.s32 s4;
	_ =	sdelay $0x1  }
0x19: {  	s24 =	simm.s32 $0x1B8B  }
0x1a: {  	_ =	swait.ge [sflag:s24], $0x1  }
0x1b: {  	[sflag:s24] =	ssyncset.done $0x0  }
0x1c: {  	s26 =	simm.s32 $0x1B8E;
	s25 =	sld [smem:$0x3FFE];
	[sflag:s24] =	ssyncadd.s32 $0xFFFFFFFF  }
0x1d: {  	s27 =	simm.s32 $execute0_lowered;
	[smem:$0x3FD2] =	sst s26  }
0x1e: {  	s5 =	sshll.u32 s27, $0x1;
	_ =	strace $0x80000049;
	[dreg:$0x1] =	wrdreg $0xFFFFFFFF  }
0x1f: {  	s28 =	simm.s32 $_size_execute0_lowered;
	s3 =	sadd.s32 s3, s5;
	[dreg:$0x0] =	wrdreg $0x0  }
0x20: {  	s5 =	sshll.u32 s28, $0x1;
	[dreg:$0x2] =	wrdreg s3  }
0x21: {  	[dreg:$0x3] =	wrdreg s5  }
0x22: {  	[dreg:$0x4] =	wrdreg $0xC0  }
0x23: {  	_ =	task [dreg:s7], $0x5FFFF  }
0x24: {  	[dreg:$0x1] =	wrdreg $0xFFFFFFFF  }
0x25: {  	[dreg:$0x0] =	wrdreg $0x60  }
0x26: {  	[dreg:$0x2] =	wrdreg s25  }
0x27: {  	[dreg:$0x3] =	wrdreg s2  }
0x28: {  	[dreg:$0x4] =	wrdreg $0x9  }
0x29: {  	_ =	task.clear_ibuf [dreg:s7], $0x5FFFF;
	_ =	strace $0x90000049  }
0x2a: {  	s29 =	simm.s32 $0x9;
	_ =	strace $0x8000004B  }
0x2b: {  	_ =	swait.ge [sflag:s29], $0x1  }
0x2c: {  	[sflag:s29] =	ssyncadd.s32 $0xFFFFFFFF  }
0x2d: {  	_ =	strace $0x9000004B  }
0x2e: {  	_ =	sfence  }
0x2f: {  	s30 =	sld [smem:$0x0];
	_ =	sdelay $0x2  }
0x30: {  	s31 =	sshll.u32 s1, $0xD;
	s1 =	sshrl.u32 s1, $0x2  }
0x31: {  	s3 =	sand.u32 $0x4000, s31;
	s1 =	sadd.s32 s1, s30  }
0x32: {  	s0 =	sor.u32 s3, s0;
	s1 =	sshll.u32 s1, $0x11  }
0x33: {  	s0 =	sor.u32 s1, s0  }
0x34: {  	s0 =	sadd.s32 $0x8F2B, s0  }
0x35: {  	[sflag:s0] =	ssyncadd.remote.s32 $0x1  }
0x36: {  	_ =	sfence.sel $0xFFFF  }
0x37: {  	[dreg:$0x0] =	wrdreg $0xFFFFFFFF;
	(pc) =	sbr.abs _section_cstart, $3  }
0x38: {  	[dreg:$0x1] =	wrdreg $0xFFFFFFFF  }
0x39: {  	_ =	task.clear_ibuf [dreg:s7], $0x2FFFF;
	_ =	strace $0x9FFFFFFF  }
0x3a: {  	(tm) =	ssettm $0x7FFFFFFF  }
0x3b: {  	_ =	shalt  }
tec
execute0_lowered:
.L_overlay_start_1:
0x0: {  	(tag) =	ssettag $0x1  }
0x1: {  	s0 =	srdreg.scid  }
0x2: {  	s1 =	sshll.u32 s0, $0x4  }
0x3: {  	s0 =	stileid.u32;
	s1 =	sand.u32 $0x10, s1  }
0x4: {  	s7 =	rddreg [dreg:$0x0];
	s1 =	sor.u32 s0, s1  }
0x5: {  	s4 =	simm.s32 $0x1;
	s8 =	simm.s32 $0x2;
	s2 =	sshll.u32 s1, $0x7  }
0x6: {  	s13 =	simm.s32 $0x0;
	s9 =	simm.s32 $0x20000;
	s1 =	ssub.s32 $0x4000, s2  }
0x7: {  	s14 =	simm.s32 $0x0;
	s11 =	simm.s32 $0x0;
	s3 =	sand.u32 $0xF80, s1  }
0x8: {  	s12 =	simm.s32 $0x0;
	s5 =	sshrl.u32 s1, $0xC;
	p0 =	sne.s32 s3, $0x0  }
.Ltmp0:
0x9: {  	s1 =	rddreg [dreg:$0x2];
	s4 =	simm.s32 @!p0 $0x0;
	(pc) =	sbr.rel .LBB1_1-.Ltmp0, $4  }
0xa: {  	s6 =	sadd.s32 $0xA00, s7;
	s3 =	rddreg [dreg:$0x1];
	s5 =	sadd.s32 s4, s5  }
0xb: {  	_ =	strace $0x8000004A;
	s4 =	simm.s32 $0x1;
	s5 =	smul.u32 $0x19, s5  }
0xc: {  	s7 =	sadd.s32 $0x40A00, s7;
	s10 =	smov.u32 s2;
	[sflag:s4] =	ssyncpa.u1 $0x0  }
0xd: {  	p0 =	por $0x0, $0x0;
	[sflag:s8] =	ssyncpa.u1 $0x0;
	s8 =	sadd.s32 $0x1, s5  }
.LBB1_7:
0xe: {  	s15 =	sadd.s32 $0x1000, s10  }
0xf: {  	s13 =	sadd.s32 $0x2, s11;
	s17 =	smov.u32 s11;
	p2 =	sgt.s32 s15, $0x3FFF  }
0x10: {  	s17 =	smov.u32 @p2 s13  }
0x11: {  	s15 =	smov.u32 @p2 s2;
	p2 =	sgt.s32 s17, $0x31  }
0x12: {  	s17 =	simm.s32 @p2 $0x0;
	p2 =	sne.s32 s12, s8  }
.Ltmp1:
0x13: {  	p1 =	slt.u32 s12, $0x2;
	(pc) =	sbr.rel @!p2 .LBB1_8-.Ltmp1, $4  }
0x14: {  	s16 =	simm.s32 @!p1 $0x2  }
0x15: {  	s14 =	smov.u32 s11;
	p0 =	por !p0, !p0;
	_ =	swait.ge @!p1 [sflag:s16], $0x4000  }
0x16: {  	s13 =	smov.u32 s10;
	[sflag:s16] =	ssyncset.done @!p1 $0x0;
	s10 =	smov.u32 s15  }
0x17: {  	s12 =	sadd.s32 $0x1, s12;
	[sflag:s16] =	ssyncadd.s32 @!p1 $0xFFFFC000;
	s11 =	smov.u32 s17  }
.LBB1_1:
0x18: {  	p1 =	sge.u32 s12, s5  }
0x19: {  	s15 =	sxor.u32 @!p1 $0xFFFFFFFF, s12;
	s16 =	sshll.u32 @!p1 s11, $0x12  }
0x1a: {  	s17 =	sshll.u32 @!p1 s10, $0x4;
	s19 =	simm.s32 @!p1 $0x40;
	s20 =	simm.s32 @!p1 $0x80  }
0x1b: {  	s15 =	sshll.u32 @!p1 s15, $0xE;
	s17 =	sand.u32 @!p1 $0x3FFF0, s17;
	s18 =	sadd.s32 @!p1 s6, s16  }
0x1c: {  	s16 =	sadd.s32 @!p1 s16, s7;
	s15 =	sand.u32 @!p1 $0x4000, s15;
	s18 =	sadd.s32 @!p1 s17, s18  }
0x1d: {  	[tilespmem:s15], [sflag:$0x1] =	stream.strided.gather @!p1 [hbm4b:s18+s19], $0x2000, s20, s19, $0x38;
	[tilespmem:$0x10100] =	vst v63  }
0x1e: {  	s31 =	sadd.s32 $0xFFFFFFFF, s12;
	s16 =	sadd.s32 @!p1 s17, s16;
	s15 =	sor.u32 @!p1 $0x2000, s15  }
0x1f: {  	[tilespmem:s15], [sflag:$0x1] =	stream.strided.gather @!p1 [hbm4b:s16+s19], $0x2000, s20, s19, $0x38;
	[tilespmem:$0x10100] =	vst v63  }
0x20: {  	p1 =	sge.u32 s31, s5  }
.Ltmp2:
0x21: {  	_ = 	snop;
	(pc) =	sbr.rel @p1 .LBB1_7-.Ltmp2, $1  }
0x22: {  	_ =	sdelay $0x3  }
0x23: {  	s15 =	simm.s32 $0x1;
	s17 =	sand.u32 $0x1, s12  }
0x24: {  	_ =	swait.ge [sflag:s4], $0x4000;
	s15 =	simm.s32 @!p0 $0x0;
	s17 =	smul.u32 $0x10200, s17  }
0x25: {  	p2 =	por $0x1, $0x1;
	[sflag:s4] =	ssyncset.done $0x0;
	s16 =	smul.u32 $0x10200, s15  }
0x26: {  	s18 =	sshll.u32 s15, $0x10;
	[sflag:s4] =	ssyncadd.s32 $0xFFFFC000;
	s30 =	sshrl.u32 s17, $0x2  }
0x27: {  	s31 =	sshrl.u32 s18, $0x2;
	s18 =	simm.s32 $0x0;
	s16 =	sshrl.u32 s16, $0x2  }
0x28: {  	s15 =	sor.u32 $0x8000, s30;
	s17 =	sadd.s32 $0x20, s31;
	s16 =	sor.u32 $0x8000, s16  }
.LBB1_3:
0x29: {  	s19 =	sshll.u32 s18, $0xD  }
0x2a: {  	s19 =	sand.u32 $0x3FFFE000, s19  }
0x2b: {  	s21 =	sadd.s32 s19, s17  }
0x2c: {  	s31 =	smul.u32 $0x8100, s18;
	v3 =	vld [tilespmem:s21+$0x10]  }
0x2d: {  	v1 =	vld [tilespmem:s21+$0xFFFFFFF0]  }
0x2e: {  	s18 =	sshra.s32 s31, $0x2;
	v0 =	vld [tilespmem:s21+$0x0]  }
0x2f: {  	s18 =	sadd.s32 s18, s16;
	v2 =	vld [tilespmem:s21+$0xFFFFFFE0]  }
0x30: {  	s19 =	sadd.s32 $0x0, s18  }
0x31: {  	p1 =	por p2, p2;
	s20 =	simm.s32 $0x4;
	s21 =	sadd.s32 $0x40, s21;
	[tilespmem:s19+$0x1830 ss:$0x81] =	vst.msk $0xffff, v3  }
.LBB1_4:
0x32: {  	v3 =	vld [tilespmem:s21+$0x10];
	p2 =	sne.s32 s20, $0x1FC;
	[tilespmem:s19+$0x810 ss:$0x81] =	vst.msk $0xffff, v1;
	s22 =	smov.u32 s20;
	s20 =	sadd.s32 $0x4, s20  }
.Ltmp3:
0x33: {  	v1 =	vld [tilespmem:s21+$0xFFFFFFF0];
	[tilespmem:s19+$0x1020 ss:$0x81] =	vst.msk $0xffff, v0;
	(pc) =	sbr.rel @p2 .LBB1_4-.Ltmp3, $4  }
0x34: {  	v0 =	vld [tilespmem:s21+$0x0];
	[tilespmem:s19+$0x0 ss:$0x81] =	vst.msk $0xffff, v2  }
0x35: {  	s19 =	sshra.s32 s22, $0x2;
	v2 =	vld [tilespmem:s21+$0xFFFFFFE0]  }
0x36: {  	s19 =	sadd.s32 s19, s18  }
0x37: {  	s21 =	sadd.s32 $0x40, s21;
	[tilespmem:s19+$0x1830 ss:$0x81] =	vst.msk $0xffff, v3  }
.Ltmp4:
0x38: {  	(pc) =	sbr.rel @p1 .LBB1_3-.Ltmp4, $4  }
0x39: {  	_ = 	snop  }
0x3a: {  	[tilespmem:s19+$0x810 ss:$0x81] =	vst.msk $0xffff, v1  }
0x3b: {  	[tilespmem:s19+$0x1020 ss:$0x81] =	vst.msk $0xffff, v0  }
0x3c: {  	s18 =	simm.s32 $0x1;
	p2 =	por $0x0, $0x0;
	[tilespmem:s19+$0x0 ss:$0x81] =	vst.msk $0xffff, v2  }
0x3d: {  	s16 =	sshll.u32 s13, $0x3;
	s17 =	sand.u32 $0x78, s13;
	s14 =	sshll.u32 s14, $0x11  }
.Ltmp5:
0x3e: {  	s30 =	sand.u32 $0x1F800, s13;
	s16 =	sand.u32 $0x3C00, s16;
	(pc) =	sbr.rel .LBB1_7-.Ltmp5, $4  }
0x3f: {  	s31 =	sand.u32 $0x7, s13;
	s14 =	sadd.s32 s3, s14;
	s16 =	sor.u32 s17, s16  }
0x40: {  	s13 =	sshll.u32 s31, $0x12;
	s14 =	sadd.s32 s30, s14;
	s16 =	sshrl.u32 s16, $0x3  }
0x41: {  	s13 =	sor.u32 $0x400, s13;
	s14 =	sadd.s32 s16, s14  }
0x42: {  	[hbm4b:s14+s13] =	stream.strided.scatter [tilespmem:s15], [sflag:$0x2], $0x4000, s9, s13, $0x20;
	[tilespmem:$0x10100] =	vst v63  }
.LBB1_8:
0x43: {  	_ =	sfence.sel $0x180000  }
0x44: {  	s2 =	simm.s32 $0x1;
	[bflag:$0x0] =	sbarrier.arrive $0xFFFF  }
0x45: {  	s31 =	simm.s32 $0x2;
	[sflag:s2] =	ssyncpa.u1 $0x1  }
0x46: {  	[sflag:s31] =	ssyncpa.u1 $0x1  }
0x47: {  	p0 =	sne.s32 s0, $0x0;
	_ =	strace $0x9000004A  }
0x48: {  	s0 =	sadd.s32 @!p0 $0x100000, s1;
	[bflag:$0x2] =	sbarrier.arrive $0xFFFF  }
0x49: {  	[sflag:s0] =	ssyncadd.tile.s32 @!p0 $0x1;
	_ =	shalt  }
.Lfunc_end1:
_tile_overlayer_lowered:
.L_overlay_start_2:
0x4a: {  	(tag) =	ssettag $0x2  }
0x4b: {  	s0 =	rddreg [dreg:$0x0];
	s2 =	stileid.u32  }
0x4c: {  	s1 =	rddreg [dreg:$0x1];
	p0 =	sne.s32 s2, $0x0  }
0x4d: {  	s3 =	rddreg [dreg:$0x2];
	[bflag:$0x3] =	sbarrier.arrive $0xFFFF;
	s2 =	simm.s32 @!p0 $0x1C01  }
0x4e: {  	[timem:s3], [sflag:s2] =	dma.local @!p0 [hbm:s0], s1  }
0x4f: {  	s0 =	simm.s32 @!p0 $0x1  }
0x50: {  	_ =	swait.ge @!p0 [sflag:s0], s1  }
0x51: {  	s1 =	ssub.s32 @!p0 $0x0, s1;
	[sflag:s0] =	ssyncset.done @!p0 $0x0  }
0x52: {  	[sflag:s0] =	ssyncadd.s32 @!p0 s1  }
0x53: {  	[bflag:$0x3] =	sbarrier.arrive $0xFFFF  }
0x54: {  	_ =	shalt  }

</sc_bundles>
